<compile_context>
chip_gen: v7x
topology: tpu7x:2x2x1
jax: 0.10.2.dev20260603
libtpu: 0.0.44.dev20260713+nightly
codegen_flags: <defaults>
</compile_context>

<pallas_src>
import functools

import jax
import jax.numpy as jnp
from jax import lax
from jax.experimental import pallas as pl
from jax.experimental.pallas import tpu as pltpu
from jax.experimental.pallas import tpu_sc as plsc

B = 4096
F = 26
V = 100000
D = 64
DENSE = 13
H1 = 1024
H2 = 512

N_ROWS = B * F
CHUNK = 128

_NC = 2
_NS = 16


def _make_gather():
    nw = _NC * _NS
    rows_per_w = N_ROWS // nw
    n_chunks = rows_per_w // CHUNK
    mesh = plsc.VectorSubcoreMesh(
        core_axis_name="c", subcore_axis_name="s",
        num_cores=_NC, num_subcores=_NS,
    )

    @functools.partial(
        pl.kernel,
        mesh=mesh,
        out_type=jax.ShapeDtypeStruct((N_ROWS, 128), jnp.float32),
        scratch_types=[
            pltpu.VMEM((n_chunks, CHUNK), jnp.int32),
            pltpu.VMEM((CHUNK, 128), jnp.float32),
            pltpu.VMEM((CHUNK, 128), jnp.float32),
            pltpu.SemaphoreType.DMA,
            pltpu.SemaphoreType.DMA,
        ],
    )
    def gather_k(table_hbm, ids_hbm, out_hbm, idx_v, rows0, rows1, sem0, sem1):
        wid = lax.axis_index("s") * _NC + lax.axis_index("c")
        base = wid * rows_per_w
        pltpu.sync_copy(ids_hbm.at[wid], idx_v)

        bufs = (rows0, rows1)
        sems = (sem0, sem1)

        first = pltpu.make_async_copy(table_hbm.at[idx_v.at[0]], bufs[0], sems[0])
        first.start()

        def body(j, _):
            slot = lax.rem(j, 2)

            def do(s):
                nxt = (s + 1) % 2

                @pl.when(j + 1 < n_chunks)
                def _():
                    pltpu.make_async_copy(
                        table_hbm.at[idx_v.at[j + 1]], bufs[nxt], sems[nxt]
                    ).start()

                pltpu.make_async_copy(
                    table_hbm.at[idx_v.at[j]], bufs[s], sems[s]
                ).wait()
                pltpu.sync_copy(bufs[s], out_hbm.at[pl.ds(base + j * CHUNK, CHUNK)])

            @pl.when(slot == 0)
            def _():
                do(0)

            @pl.when(slot == 1)
            def _():
                do(1)

            return 0

        lax.fori_loop(0, n_chunks, body, 0)

    return gather_k, nw, rows_per_w


_gather_kernel, _NW, _ROWS_PER_W = _make_gather()


_BM = 512


def _mlp_body(x_ref, par_ref, d_ref, w1_ref, w1d_ref, b1_ref, w2_ref, b2_ref,
              w3_ref, b3_ref, o_ref):
    x3 = x_ref[...].reshape(_BM, F, 128)
    half = lax.broadcasted_iota(jnp.int32, (_BM, F, 128), 2) // D
    m = (half == par_ref[...][:, :, None]).astype(jnp.float32)
    xm = (x3 * m).astype(jnp.bfloat16)
    h = jnp.dot(d_ref[...].astype(jnp.bfloat16), w1d_ref[...],
                preferred_element_type=jnp.float32)
    for f in range(F):
        h = h + jnp.dot(xm[:, f, :], w1_ref[f],
                        preferred_element_type=jnp.float32)
    h = jnp.maximum(h + b1_ref[...], 0.0)
    h = jnp.maximum(
        jnp.dot(h.astype(jnp.bfloat16), w2_ref[...],
                preferred_element_type=jnp.float32) + b2_ref[...],
        0.0,
    )
    logit = jnp.dot(h.astype(jnp.bfloat16), w3_ref[...],
                    preferred_element_type=jnp.float32) + b3_ref[...]
    o_ref[...] = jax.nn.sigmoid(logit)


def _mlp(xg, parity, dpad, w1dup, w1d, b1, w2, b2, w3, b3):
    grid = (B // _BM,)
    rows_blk = _BM * F
    return pl.pallas_call(
        _mlp_body,
        grid=grid,
        in_specs=[
            pl.BlockSpec((rows_blk, 128), lambda i: (i, 0)),
            pl.BlockSpec((_BM, F), lambda i: (i, 0)),
            pl.BlockSpec((_BM, 128), lambda i: (i, 0)),
            pl.BlockSpec((F, 128, H1), lambda i: (0, 0, 0)),
            pl.BlockSpec((128, H1), lambda i: (0, 0)),
            pl.BlockSpec((1, H1), lambda i: (0, 0)),
            pl.BlockSpec((H1, H2), lambda i: (0, 0)),
            pl.BlockSpec((1, H2), lambda i: (0, 0)),
            pl.BlockSpec((H2, 1), lambda i: (0, 0)),
            pl.BlockSpec((1, 1), lambda i: (0, 0)),
        ],
        out_specs=pl.BlockSpec((_BM, 1), lambda i: (i, 0)),
        out_shape=jax.ShapeDtypeStruct((B, 1), jnp.float32),
        compiler_params=pltpu.CompilerParams(
            dimension_semantics=("arbitrary",),
        ),
    )(xg, parity, dpad, w1dup, w1d, b1, w2, b2, w3, b3)


def kernel(sparse_ids, dense_feats, tables, W1, b1, W2, b2, W3, b3):
    pair_table = tables.reshape(F * V // 2, 128)
    flat_ids = (sparse_ids.astype(jnp.int32)
                + (jnp.arange(F, dtype=jnp.int32) * V)[None, :])
    pair_ids = flat_ids >> 1
    parity = flat_ids & 1
    ids3 = pair_ids.reshape(_NW, _ROWS_PER_W // CHUNK, CHUNK)

    xg = _gather_kernel(pair_table, ids3)

    dpad = jnp.pad(dense_feats, ((0, 0), (0, 128 - DENSE)))
    w1a = W1[: F * D].reshape(F, 1, D, H1)
    w1dup = jnp.broadcast_to(w1a, (F, 2, D, H1)).reshape(F, 128, H1)
    w1d = jnp.pad(W1[F * D:], ((0, 128 - DENSE), (0, 0)))

    return _mlp(xg, parity, dpad,
                w1dup.astype(jnp.bfloat16), w1d.astype(jnp.bfloat16),
                b1.reshape(1, H1),
                W2.astype(jnp.bfloat16), b2.reshape(1, H2),
                W3.astype(jnp.bfloat16), b3.reshape(1, 1))

# --- scband reference (transcript-rebuilt; emitter-appended) ---
"""Pipeline reference for scband-m-11879879541670 (READ-ONLY COPY).

The authoritative reference and input builder live on the scoring server;
editing this copy changes nothing except your own understanding.
"""

import jax, jax.numpy as jnp
import numpy as np

B = 4096
F = 26
V = 100000
D = 64
DENSE = 13
H1 = 1024
H2 = 512


def setup_inputs(seed: int = 0) -> dict:
    key = jax.random.key(seed)
    ks = jax.random.split(key, 10)
    sparse_ids = jax.random.randint(ks[0], (B, F), 0, V, dtype=jnp.int64 if jax.config.jax_enable_x64 else jnp.int32)
    dense_feats = jax.random.normal(ks[1], (B, DENSE), dtype=jnp.float32)
    # one embedding table per sparse field, stacked: [F, V, D]
    tables = jax.random.normal(ks[2], (F, V, D), dtype=jnp.float32) * 0.01
    in_dim = F * D + DENSE
    W1 = jax.random.normal(ks[3], (in_dim, H1), dtype=jnp.float32) * (1.0 / np.sqrt(in_dim))
    b1 = jnp.zeros((H1,), dtype=jnp.float32)
    W2 = jax.random.normal(ks[4], (H1, H2), dtype=jnp.float32) * (1.0 / np.sqrt(H1))
    b2 = jnp.zeros((H2,), dtype=jnp.float32)
    W3 = jax.random.normal(ks[5], (H2, 1), dtype=jnp.float32) * (1.0 / np.sqrt(H2))
    b3 = jnp.zeros((1,), dtype=jnp.float32)
    return {
        'sparse_ids': sparse_ids,
        'dense_feats': dense_feats,
        'tables': tables,
        'W1': W1, 'b1': b1,
        'W2': W2, 'b2': b2,
        'W3': W3, 'b3': b3,
    }


def reference(sparse_ids, dense_feats, tables, W1, b1, W2, b2, W3, b3):
    # DenseFeatures: per-field embedding lookup + concat with numeric columns
    emb = tables[jnp.arange(F)[None, :], sparse_ids]  # [B, F, D] gather
    feat = jnp.concatenate([emb.reshape(B, F * D), dense_feats], axis=1)  # [B, F*D + DENSE]
    # prediction head (MLP + sigmoid)
    h = jax.nn.relu(feat @ W1 + b1)
    h = jax.nn.relu(h @ W2 + b2)
    logit = h @ W3 + b3
    prediction = jax.nn.sigmoid(logit)
    return prediction

if __name__ == "__main__":
    import jax
    _d = setup_inputs()
    print(jax.jit(kernel)(*tuple(_d.values())))

</pallas_src>

<mosaic_0001>
#map = affine_map<(d0, d1) -> (0, 0)>
#map1 = affine_map<(d0, d1) -> (0, 0, 0)>
module attributes {stable_mosaic.version = 14 : i64} {
  func.func @gather_k(%arg0: i32, %arg1: i32, %arg2: memref<1300000x128xf32, #tpu.memory_space<hbm>>, %arg3: memref<32x26x128xi32, #tpu.memory_space<hbm>>, %arg4: memref<106496x128xf32, #tpu.memory_space<hbm>>, %arg5: memref<26x128xi32, #tpu.memory_space<vmem>>, %arg6: memref<128x128xf32, #tpu.memory_space<vmem>>, %arg7: memref<128x128xf32, #tpu.memory_space<vmem>>, %arg8: memref<!tpu.dma_semaphore, #tpu.memory_space<semaphore_mem>>, %arg9: memref<!tpu.dma_semaphore, #tpu.memory_space<semaphore_mem>>) attributes {dimension_semantics = [#tpu.dimension_semantics<core_parallel>, #tpu.dimension_semantics<subcore_parallel>], iteration_bounds = array<i64: 2, 16>, scalar_prefetch = 0 : i64, scratch_operands = 5 : i64, tpu.core_type = #tpu.core_type<sc_vector_subcore>, window_params = [{transform_indices = #map}, {transform_indices = #map1}, {transform_indices = #map}]} {
    %mul3A = arith.constant 2 : i32
    %mul3A_0 = arith.muli %arg1, %mul3A : i32
    %add3A = arith.addi %mul3A_0, %arg0 : i32
    %mul3A_1 = arith.constant 3328 : i32
    %mul3A_2 = arith.muli %add3A, %mul3A_1 : i32
    "tpu.region"() ({
      %run_scoped3A = tpu.sem_alloc : memref<!tpu.dma_semaphore, #tpu.memory_space<semaphore_mem>>
      %dma_start3A_15 = arith.constant 0 : i32
      %dma_start3A_16 = arith.constant 0 : i32
      %dma_start3A_17 = tpu.memref_slice %arg3[%add3A, %dma_start3A_15, %dma_start3A_16] : memref<32x26x128xi32, #tpu.memory_space<hbm>> -> memref<1x26x128xi32, #tpu.memory_space<hbm>>
      %dma_start3A_18 = tpu.memref_squeeze %dma_start3A_17 : memref<1x26x128xi32, #tpu.memory_space<hbm>> -> memref<26x128xi32, #tpu.memory_space<hbm>>
      %dma_start3A_19 = arith.constant 0 : i32
      %dma_start3A_20 = arith.constant 0 : i32
      %dma_start3A_21 = tpu.memref_slice %arg3[%add3A, %dma_start3A_19, %dma_start3A_20] : memref<32x26x128xi32, #tpu.memory_space<hbm>> -> memref<1x26x128xi32, #tpu.memory_space<hbm>>
      %dma_start3A_22 = tpu.memref_squeeze %dma_start3A_21 : memref<1x26x128xi32, #tpu.memory_space<hbm>> -> memref<26x128xi32, #tpu.memory_space<hbm>>
      tpu.enqueue_dma source(%dma_start3A_22 : memref<26x128xi32, #tpu.memory_space<hbm>>) target(%arg5 : memref<26x128xi32, #tpu.memory_space<vmem>>) target_semaphore(%run_scoped3A : memref<!tpu.dma_semaphore, #tpu.memory_space<semaphore_mem>>)
      %dma_wait3A = arith.constant 0 : i32
      %dma_wait3A_23 = arith.constant 0 : i32
      %dma_wait3A_24 = tpu.memref_slice %arg3[%add3A, %dma_wait3A, %dma_wait3A_23] : memref<32x26x128xi32, #tpu.memory_space<hbm>> -> memref<1x26x128xi32, #tpu.memory_space<hbm>>
      %dma_wait3A_25 = tpu.memref_squeeze %dma_wait3A_24 : memref<1x26x128xi32, #tpu.memory_space<hbm>> -> memref<26x128xi32, #tpu.memory_space<hbm>>
      %dma_wait3A_26 = arith.constant 0 : i32
      %dma_wait3A_27 = arith.constant 0 : i32
      %dma_wait3A_28 = tpu.memref_slice %arg3[%add3A, %dma_wait3A_26, %dma_wait3A_27] : memref<32x26x128xi32, #tpu.memory_space<hbm>> -> memref<1x26x128xi32, #tpu.memory_space<hbm>>
      %dma_wait3A_29 = tpu.memref_squeeze %dma_wait3A_28 : memref<1x26x128xi32, #tpu.memory_space<hbm>> -> memref<26x128xi32, #tpu.memory_space<hbm>>
      tpu.wait_dma2 semaphore(%run_scoped3A : memref<!tpu.dma_semaphore, #tpu.memory_space<semaphore_mem>>) src(%dma_wait3A_29 : memref<26x128xi32, #tpu.memory_space<hbm>>) dst(%arg5 : memref<26x128xi32, #tpu.memory_space<vmem>>)
      tpu.yield
    }) : () -> ()
    %dma_start3A = arith.constant 0 : i32
    %dma_start3A_3 = arith.constant 0 : i32
    %dma_start3A_4 = tpu.memref_slice %arg5[%dma_start3A, %dma_start3A_3] : memref<26x128xi32, #tpu.memory_space<vmem>> -> memref<1x128xi32, #tpu.memory_space<vmem>>
    %dma_start3A_5 = tpu.memref_squeeze %dma_start3A_4 : memref<1x128xi32, #tpu.memory_space<vmem>> -> memref<128xi32, #tpu.memory_space<vmem>>
    %dma_start3A_6 = arith.constant 0 : i32
    %dma_start3A_7 = arith.constant 0 : i32
    %dma_start3A_8 = tpu.memref_slice %arg2[%dma_start3A_6, %dma_start3A_7] : memref<1300000x128xf32, #tpu.memory_space<hbm>> -> memref<1300000x128xf32, #tpu.memory_space<hbm>>
    tpu.enqueue_indirect_dma source(%dma_start3A_8 : memref<1300000x128xf32, #tpu.memory_space<hbm>>) target(%arg6 : memref<128x128xf32, #tpu.memory_space<vmem>>) offsets(%dma_start3A_5 : memref<128xi32, #tpu.memory_space<vmem>>) semaphore(%arg8 : memref<!tpu.dma_semaphore, #tpu.memory_space<semaphore_mem>>)
    %scan3A = arith.constant 0 : i32
    %scan3A_9 = arith.constant 0 : i32
    %scan3A_10 = arith.constant 26 : i32
    %scan3A_11 = arith.addi %scan3A_9, %scan3A_10 : i32
    %scan3A_12 = arith.constant 1 : i32
    %scan3A_13 = scf.for %scan3A_15 = %scan3A_9 to %scan3A_11 step %scan3A_12 iter_args(%scan3A_16 = %scan3A) -> (i32)  : i32 {
      %rem3A = arith.constant 2 : i32
      %rem3A_17 = arith.remsi %scan3A_15, %rem3A : i32
      %eq3A = arith.constant 0 : i32
      %eq3A_18 = arith.cmpi eq, %rem3A_17, %eq3A : i32
      %convert_element_type3A = arith.extui %eq3A_18 : i1 to i32
      %cond3A = arith.constant 0 : i32
      %cond3A_19 = arith.cmpi ne, %convert_element_type3A, %cond3A : i32
      scf.if %cond3A_19 {
        %add3A_26 = arith.constant 1 : i32
        %add3A_27 = arith.addi %scan3A_15, %add3A_26 : i32
        %lt3A = arith.constant 26 : i32
        %lt3A_28 = arith.cmpi slt, %add3A_27, %lt3A : i32
        %convert_element_type3A_29 = arith.extui %lt3A_28 : i1 to i32
        %cond3A_30 = arith.constant 0 : i32
        %cond3A_31 = arith.cmpi ne, %convert_element_type3A_29, %cond3A_30 : i32
        scf.if %cond3A_31 {
          %add3A_40 = arith.constant 1 : i32
          %add3A_41 = arith.addi %scan3A_15, %add3A_40 : i32
          %dma_start3A_42 = arith.constant 0 : i32
          %dma_start3A_43 = tpu.memref_slice %arg5[%add3A_41, %dma_start3A_42] : memref<26x128xi32, #tpu.memory_space<vmem>> -> memref<1x128xi32, #tpu.memory_space<vmem>>
          %dma_start3A_44 = tpu.memref_squeeze %dma_start3A_43 : memref<1x128xi32, #tpu.memory_space<vmem>> -> memref<128xi32, #tpu.memory_space<vmem>>
          %dma_start3A_45 = arith.constant 0 : i32
          %dma_start3A_46 = arith.constant 0 : i32
          %dma_start3A_47 = tpu.memref_slice %arg2[%dma_start3A_45, %dma_start3A_46] : memref<1300000x128xf32, #tpu.memory_space<hbm>> -> memref<1300000x128xf32, #tpu.memory_space<hbm>>
          tpu.enqueue_indirect_dma source(%dma_start3A_47 : memref<1300000x128xf32, #tpu.memory_space<hbm>>) target(%arg7 : memref<128x128xf32, #tpu.memory_space<vmem>>) offsets(%dma_start3A_44 : memref<128xi32, #tpu.memory_space<vmem>>) semaphore(%arg9 : memref<!tpu.dma_semaphore, #tpu.memory_space<semaphore_mem>>)
        } else {
        }
        %dma_wait3A = arith.constant 0 : i32
        %dma_wait3A_32 = tpu.memref_slice %arg5[%scan3A_15, %dma_wait3A] : memref<26x128xi32, #tpu.memory_space<vmem>> -> memref<1x128xi32, #tpu.memory_space<vmem>>
        %dma_wait3A_33 = tpu.memref_squeeze %dma_wait3A_32 : memref<1x128xi32, #tpu.memory_space<vmem>> -> memref<128xi32, #tpu.memory_space<vmem>>
        %dma_wait3A_34 = arith.constant 0 : i32
        %dma_wait3A_35 = arith.constant 0 : i32
        %dma_wait3A_36 = tpu.memref_slice %arg2[%dma_wait3A_34, %dma_wait3A_35] : memref<1300000x128xf32, #tpu.memory_space<hbm>> -> memref<1300000x128xf32, #tpu.memory_space<hbm>>
        tpu.wait_indirect_dma semaphore(%arg8 : memref<!tpu.dma_semaphore, #tpu.memory_space<semaphore_mem>>) src(%dma_wait3A_36 : memref<1300000x128xf32, #tpu.memory_space<hbm>>) dst(%arg6 : memref<128x128xf32, #tpu.memory_space<vmem>>)
        %mul3A_37 = arith.constant 128 : i32
        %mul3A_38 = arith.muli %scan3A_15, %mul3A_37 : i32
        %add3A_39 = arith.addi %mul3A_2, %mul3A_38 : i32
        "tpu.region"() ({
          %run_scoped3A = tpu.sem_alloc : memref<!tpu.dma_semaphore, #tpu.memory_space<semaphore_mem>>
          %dma_start3A_40 = arith.constant 0 : i32
          %dma_start3A_41 = tpu.memref_slice %arg4[%add3A_39, %dma_start3A_40] : memref<106496x128xf32, #tpu.memory_space<hbm>> -> memref<128x128xf32, #tpu.memory_space<hbm>>
          %dma_start3A_42 = arith.constant 0 : i32
          %dma_start3A_43 = tpu.memref_slice %arg4[%add3A_39, %dma_start3A_42] : memref<106496x128xf32, #tpu.memory_space<hbm>> -> memref<128x128xf32, #tpu.memory_space<hbm>>
          tpu.enqueue_dma source(%arg6 : memref<128x128xf32, #tpu.memory_space<vmem>>) target(%dma_start3A_43 : memref<128x128xf32, #tpu.memory_space<hbm>>) target_semaphore(%run_scoped3A : memref<!tpu.dma_semaphore, #tpu.memory_space<semaphore_mem>>)
          %dma_wait3A_44 = arith.constant 0 : i32
          %dma_wait3A_45 = tpu.memref_slice %arg4[%add3A_39, %dma_wait3A_44] : memref<106496x128xf32, #tpu.memory_space<hbm>> -> memref<128x128xf32, #tpu.memory_space<hbm>>
          %dma_wait3A_46 = arith.constant 0 : i32
          %dma_wait3A_47 = tpu.memref_slice %arg4[%add3A_39, %dma_wait3A_46] : memref<106496x128xf32, #tpu.memory_space<hbm>> -> memref<128x128xf32, #tpu.memory_space<hbm>>
          tpu.wait_dma2 semaphore(%run_scoped3A : memref<!tpu.dma_semaphore, #tpu.memory_space<semaphore_mem>>) src(%arg6 : memref<128x128xf32, #tpu.memory_space<vmem>>) dst(%dma_wait3A_47 : memref<128x128xf32, #tpu.memory_space<hbm>>)
          tpu.yield
        }) : () -> ()
      } else {
      }
      %eq3A_20 = arith.constant 1 : i32
      %eq3A_21 = arith.cmpi eq, %rem3A_17, %eq3A_20 : i32
      %convert_element_type3A_22 = arith.extui %eq3A_21 : i1 to i32
      %cond3A_23 = arith.constant 0 : i32
      %cond3A_24 = arith.cmpi ne, %convert_element_type3A_22, %cond3A_23 : i32
      scf.if %cond3A_24 {
        %add3A_26 = arith.constant 1 : i32
        %add3A_27 = arith.addi %scan3A_15, %add3A_26 : i32
        %lt3A = arith.constant 26 : i32
        %lt3A_28 = arith.cmpi slt, %add3A_27, %lt3A : i32
        %convert_element_type3A_29 = arith.extui %lt3A_28 : i1 to i32
        %cond3A_30 = arith.constant 0 : i32
        %cond3A_31 = arith.cmpi ne, %convert_element_type3A_29, %cond3A_30 : i32
        scf.if %cond3A_31 {
          %add3A_40 = arith.constant 1 : i32
          %add3A_41 = arith.addi %scan3A_15, %add3A_40 : i32
          %dma_start3A_42 = arith.constant 0 : i32
          %dma_start3A_43 = tpu.memref_slice %arg5[%add3A_41, %dma_start3A_42] : memref<26x128xi32, #tpu.memory_space<vmem>> -> memref<1x128xi32, #tpu.memory_space<vmem>>
          %dma_start3A_44 = tpu.memref_squeeze %dma_start3A_43 : memref<1x128xi32, #tpu.memory_space<vmem>> -> memref<128xi32, #tpu.memory_space<vmem>>
          %dma_start3A_45 = arith.constant 0 : i32
          %dma_start3A_46 = arith.constant 0 : i32
          %dma_start3A_47 = tpu.memref_slice %arg2[%dma_start3A_45, %dma_start3A_46] : memref<1300000x128xf32, #tpu.memory_space<hbm>> -> memref<1300000x128xf32, #tpu.memory_space<hbm>>
          tpu.enqueue_indirect_dma source(%dma_start3A_47 : memref<1300000x128xf32, #tpu.memory_space<hbm>>) target(%arg6 : memref<128x128xf32, #tpu.memory_space<vmem>>) offsets(%dma_start3A_44 : memref<128xi32, #tpu.memory_space<vmem>>) semaphore(%arg8 : memref<!tpu.dma_semaphore, #tpu.memory_space<semaphore_mem>>)
        } else {
        }
        %dma_wait3A = arith.constant 0 : i32
        %dma_wait3A_32 = tpu.memref_slice %arg5[%scan3A_15, %dma_wait3A] : memref<26x128xi32, #tpu.memory_space<vmem>> -> memref<1x128xi32, #tpu.memory_space<vmem>>
        %dma_wait3A_33 = tpu.memref_squeeze %dma_wait3A_32 : memref<1x128xi32, #tpu.memory_space<vmem>> -> memref<128xi32, #tpu.memory_space<vmem>>
        %dma_wait3A_34 = arith.constant 0 : i32
        %dma_wait3A_35 = arith.constant 0 : i32
        %dma_wait3A_36 = tpu.memref_slice %arg2[%dma_wait3A_34, %dma_wait3A_35] : memref<1300000x128xf32, #tpu.memory_space<hbm>> -> memref<1300000x128xf32, #tpu.memory_space<hbm>>
        tpu.wait_indirect_dma semaphore(%arg9 : memref<!tpu.dma_semaphore, #tpu.memory_space<semaphore_mem>>) src(%dma_wait3A_36 : memref<1300000x128xf32, #tpu.memory_space<hbm>>) dst(%arg7 : memref<128x128xf32, #tpu.memory_space<vmem>>)
        %mul3A_37 = arith.constant 128 : i32
        %mul3A_38 = arith.muli %scan3A_15, %mul3A_37 : i32
        %add3A_39 = arith.addi %mul3A_2, %mul3A_38 : i32
        "tpu.region"() ({
          %run_scoped3A = tpu.sem_alloc : memref<!tpu.dma_semaphore, #tpu.memory_space<semaphore_mem>>
          %dma_start3A_40 = arith.constant 0 : i32
          %dma_start3A_41 = tpu.memref_slice %arg4[%add3A_39, %dma_start3A_40] : memref<106496x128xf32, #tpu.memory_space<hbm>> -> memref<128x128xf32, #tpu.memory_space<hbm>>
          %dma_start3A_42 = arith.constant 0 : i32
          %dma_start3A_43 = tpu.memref_slice %arg4[%add3A_39, %dma_start3A_42] : memref<106496x128xf32, #tpu.memory_space<hbm>> -> memref<128x128xf32, #tpu.memory_space<hbm>>
          tpu.enqueue_dma source(%arg7 : memref<128x128xf32, #tpu.memory_space<vmem>>) target(%dma_start3A_43 : memref<128x128xf32, #tpu.memory_space<hbm>>) target_semaphore(%run_scoped3A : memref<!tpu.dma_semaphore, #tpu.memory_space<semaphore_mem>>)
          %dma_wait3A_44 = arith.constant 0 : i32
          %dma_wait3A_45 = tpu.memref_slice %arg4[%add3A_39, %dma_wait3A_44] : memref<106496x128xf32, #tpu.memory_space<hbm>> -> memref<128x128xf32, #tpu.memory_space<hbm>>
          %dma_wait3A_46 = arith.constant 0 : i32
          %dma_wait3A_47 = tpu.memref_slice %arg4[%add3A_39, %dma_wait3A_46] : memref<106496x128xf32, #tpu.memory_space<hbm>> -> memref<128x128xf32, #tpu.memory_space<hbm>>
          tpu.wait_dma2 semaphore(%run_scoped3A : memref<!tpu.dma_semaphore, #tpu.memory_space<semaphore_mem>>) src(%arg7 : memref<128x128xf32, #tpu.memory_space<vmem>>) dst(%dma_wait3A_47 : memref<128x128xf32, #tpu.memory_space<hbm>>)
          tpu.yield
        }) : () -> ()
      } else {
      }
      %scan3A_25 = arith.constant 0 : i32
      scf.yield %scan3A_25 : i32
    }
    %scan3A_14 = arith.constant 26 : i32
    return
  }
}

module attributes {stable_mosaic.version = 14 : i64} {
  func.func @_mlp_body(%arg0: i32, %arg1: memref<13312x128xf32, #tpu.memory_space<vmem>>, %arg2: memref<512x26xi32, #tpu.memory_space<vmem>>, %arg3: memref<512x128xf32, #tpu.memory_space<vmem>>, %arg4: memref<26x128x1024xbf16, #tpu.memory_space<vmem>>, %arg5: memref<128x1024xbf16, #tpu.memory_space<vmem>>, %arg6: memref<1x1024xf32, #tpu.memory_space<vmem>>, %arg7: memref<1024x512xbf16, #tpu.memory_space<vmem>>, %arg8: memref<1x512xf32, #tpu.memory_space<vmem>>, %arg9: memref<512x1xbf16, #tpu.memory_space<vmem>>, %arg10: memref<1x1xf32, #tpu.memory_space<vmem>>, %arg11: memref<512x1xf32, #tpu.memory_space<vmem>>) attributes {dimension_semantics = [#tpu.dimension_semantics<arbitrary>], iteration_bounds = array<i64: 8>, scalar_prefetch = 0 : i64, scratch_operands = 0 : i64, tpu.core_type = #tpu.core_type<tc>, window_params = [{transform_indices = @transform_0, window_bounds = array<i64: 13312, 128>}, {transform_indices = @transform_1, window_bounds = array<i64: 512, 26>}, {transform_indices = @transform_2, window_bounds = array<i64: 512, 128>}, {pipeline_mode = #tpu.pipeline_mode<synchronous>, transform_indices = @transform_3, window_bounds = array<i64: 26, 128, 1024>}, {pipeline_mode = #tpu.pipeline_mode<synchronous>, transform_indices = @transform_4, window_bounds = array<i64: 128, 1024>}, {pipeline_mode = #tpu.pipeline_mode<synchronous>, transform_indices = @transform_5, window_bounds = array<i64: 1, 1024>}, {pipeline_mode = #tpu.pipeline_mode<synchronous>, transform_indices = @transform_6, window_bounds = array<i64: 1024, 512>}, {pipeline_mode = #tpu.pipeline_mode<synchronous>, transform_indices = @transform_7, window_bounds = array<i64: 1, 512>}, {pipeline_mode = #tpu.pipeline_mode<synchronous>, transform_indices = @transform_8, window_bounds = array<i64: 512, 1>}, {pipeline_mode = #tpu.pipeline_mode<synchronous>, transform_indices = @transform_9, window_bounds = array<i64: 1, 1>}, {transform_indices = @transform_10, window_bounds = array<i64: 512, 1>}]} {
    %get3A = arith.constant 0 : index
    %get3A_0 = arith.constant 0 : index
    %get3A_1 = vector.load %arg1[%get3A, %get3A_0] : memref<13312x128xf32, #tpu.memory_space<vmem>>, vector<13312x128xf32>
    %reshape3A = vector.shape_cast %get3A_1 : vector<13312x128xf32> to vector<512x26x128xf32>
    %iota3A = tpu.iota {dimensions = array<i32: 2>} : vector<512x26x128xi32>
    %jit3A = arith.constant 64 : i32
    %div3A = vector.broadcast %jit3A : i32 to vector<512x26x128xi32>
    %div3A_2 = arith.divsi %iota3A, %div3A : vector<512x26x128xi32>
    %sign3A = arith.constant 0 : i32
    %sign3A_3 = vector.broadcast %sign3A : i32 to vector<512x26x128xi32>
    %sign3A_4 = arith.cmpi sgt, %iota3A, %sign3A_3 : vector<512x26x128xi32>
    %sign3A_5 = arith.extui %sign3A_4 : vector<512x26x128xi1> to vector<512x26x128xi32>
    %sign3A_6 = arith.constant 0 : i32
    %sign3A_7 = vector.broadcast %sign3A_6 : i32 to vector<512x26x128xi32>
    %sign3A_8 = arith.cmpi slt, %iota3A, %sign3A_7 : vector<512x26x128xi32>
    %sign3A_9 = arith.extui %sign3A_8 : vector<512x26x128xi1> to vector<512x26x128xi32>
    %sign3A_10 = arith.subi %sign3A_5, %sign3A_9 : vector<512x26x128xi32>
    %sign3A_11 = arith.constant 0 : i32
    %sign3A_12 = arith.cmpi sgt, %jit3A, %sign3A_11 : i32
    %sign3A_13 = arith.extui %sign3A_12 : i1 to i32
    %sign3A_14 = arith.constant 0 : i32
    %sign3A_15 = arith.cmpi slt, %jit3A, %sign3A_14 : i32
    %sign3A_16 = arith.extui %sign3A_15 : i1 to i32
    %sign3A_17 = arith.subi %sign3A_13, %sign3A_16 : i32
    %ne3A = vector.broadcast %sign3A_17 : i32 to vector<512x26x128xi32>
    %ne3A_18 = arith.cmpi ne, %sign3A_10, %ne3A : vector<512x26x128xi32>
    %rem3A = vector.broadcast %jit3A : i32 to vector<512x26x128xi32>
    %rem3A_19 = arith.remsi %iota3A, %rem3A : vector<512x26x128xi32>
    %ne3A_20 = arith.constant 0 : i32
    %ne3A_21 = vector.broadcast %ne3A_20 : i32 to vector<512x26x128xi32>
    %ne3A_22 = arith.cmpi ne, %rem3A_19, %ne3A_21 : vector<512x26x128xi32>
    %and3A = arith.andi %ne3A_18, %ne3A_22 : vector<512x26x128xi1>
    %sub3A = arith.constant 1 : i32
    %sub3A_23 = vector.broadcast %sub3A : i32 to vector<512x26x128xi32>
    %sub3A_24 = arith.subi %div3A_2, %sub3A_23 : vector<512x26x128xi32>
    %select_n3A = arith.select %and3A, %sub3A_24, %div3A_2 : vector<512x26x128xi1>, vector<512x26x128xi32>
    %get3A_25 = arith.constant 0 : index
    %get3A_26 = arith.constant 0 : index
    %get3A_27 = vector.load %arg2[%get3A_25, %get3A_26] : memref<512x26xi32, #tpu.memory_space<vmem>>, vector<512x26xi32>
    %broadcast_in_dim3A = vector.shape_cast %get3A_27 : vector<512x26xi32> to vector<512x26x1xi32>
    %eq3A = vector.broadcast %broadcast_in_dim3A : vector<512x26x1xi32> to vector<512x26x128xi32>
    %eq3A_28 = arith.cmpi eq, %select_n3A, %eq3A : vector<512x26x128xi32>
    %convert_element_type3A = arith.extui %eq3A_28 : vector<512x26x128xi1> to vector<512x26x128xi32>
    %convert_element_type3A_29 = arith.sitofp %convert_element_type3A : vector<512x26x128xi32> to vector<512x26x128xf32>
    %mul3A = arith.mulf %reshape3A, %convert_element_type3A_29 : vector<512x26x128xf32>
    %convert_element_type3A_30 = arith.truncf %mul3A : vector<512x26x128xf32> to vector<512x26x128xbf16>
    %get3A_31 = arith.constant 0 : index
    %get3A_32 = arith.constant 0 : index
    %get3A_33 = vector.load %arg3[%get3A_31, %get3A_32] : memref<512x128xf32, #tpu.memory_space<vmem>>, vector<512x128xf32>
    %convert_element_type3A_34 = arith.truncf %get3A_33 : vector<512x128xf32> to vector<512x128xbf16>
    %get3A_35 = arith.constant 0 : index
    %get3A_36 = arith.constant 0 : index
    %get3A_37 = vector.load %arg5[%get3A_35, %get3A_36] : memref<128x1024xbf16, #tpu.memory_space<vmem>>, vector<128x1024xbf16>
    %dot_general3A = arith.constant dense<0.000000e+00> : vector<512x1024xf32>
    %dot_general3A_38 = tpu.matmul %convert_element_type3A_34, %get3A_37, %dot_general3A {dimension_numbers = #tpu.dot_dimension_numbers<[1], [0], [0], [1], [0, 0, 1, 1], [], []>, transpose_lhs_hint = false} : vector<512x128xbf16>, vector<128x1024xbf16>, vector<512x1024xf32> -> vector<512x1024xf32>
    %slice3A = vector.extract_strided_slice %convert_element_type3A_30 {offsets = [0, 0, 0], sizes = [512, 1, 128], strides = [1, 1, 1]} : vector<512x26x128xbf16> to vector<512x1x128xbf16>
    %squeeze3A = vector.shape_cast %slice3A : vector<512x1x128xbf16> to vector<512x128xbf16>
    %get3A_39 = arith.constant 0 : index
    %get3A_40 = arith.constant 0 : index
    %get3A_41 = arith.constant 0 : index
    %get3A_42 = vector.load %arg4[%get3A_39, %get3A_40, %get3A_41] : memref<26x128x1024xbf16, #tpu.memory_space<vmem>>, vector<1x128x1024xbf16>
    %get3A_43 = vector.shape_cast %get3A_42 : vector<1x128x1024xbf16> to vector<128x1024xbf16>
    %dot_general3A_44 = arith.constant dense<0.000000e+00> : vector<512x1024xf32>
    %dot_general3A_45 = tpu.matmul %squeeze3A, %get3A_43, %dot_general3A_44 {dimension_numbers = #tpu.dot_dimension_numbers<[1], [0], [0], [1], [0, 0, 1, 1], [], []>, transpose_lhs_hint = false} : vector<512x128xbf16>, vector<128x1024xbf16>, vector<512x1024xf32> -> vector<512x1024xf32>
    %add3A = arith.addf %dot_general3A_38, %dot_general3A_45 : vector<512x1024xf32>
    %slice3A_46 = vector.extract_strided_slice %convert_element_type3A_30 {offsets = [0, 1, 0], sizes = [512, 1, 128], strides = [1, 1, 1]} : vector<512x26x128xbf16> to vector<512x1x128xbf16>
    %squeeze3A_47 = vector.shape_cast %slice3A_46 : vector<512x1x128xbf16> to vector<512x128xbf16>
    %get3A_48 = arith.constant 1 : index
    %get3A_49 = arith.constant 0 : index
    %get3A_50 = arith.constant 0 : index
    %get3A_51 = vector.load %arg4[%get3A_48, %get3A_49, %get3A_50] : memref<26x128x1024xbf16, #tpu.memory_space<vmem>>, vector<1x128x1024xbf16>
    %get3A_52 = vector.shape_cast %get3A_51 : vector<1x128x1024xbf16> to vector<128x1024xbf16>
    %dot_general3A_53 = arith.constant dense<0.000000e+00> : vector<512x1024xf32>
    %dot_general3A_54 = tpu.matmul %squeeze3A_47, %get3A_52, %dot_general3A_53 {dimension_numbers = #tpu.dot_dimension_numbers<[1], [0], [0], [1], [0, 0, 1, 1], [], []>, transpose_lhs_hint = false} : vector<512x128xbf16>, vector<128x1024xbf16>, vector<512x1024xf32> -> vector<512x1024xf32>
    %add3A_55 = arith.addf %add3A, %dot_general3A_54 : vector<512x1024xf32>
    %slice3A_56 = vector.extract_strided_slice %convert_element_type3A_30 {offsets = [0, 2, 0], sizes = [512, 1, 128], strides = [1, 1, 1]} : vector<512x26x128xbf16> to vector<512x1x128xbf16>
    %squeeze3A_57 = vector.shape_cast %slice3A_56 : vector<512x1x128xbf16> to vector<512x128xbf16>
    %get3A_58 = arith.constant 2 : index
    %get3A_59 = arith.constant 0 : index
    %get3A_60 = arith.constant 0 : index
    %get3A_61 = vector.load %arg4[%get3A_58, %get3A_59, %get3A_60] : memref<26x128x1024xbf16, #tpu.memory_space<vmem>>, vector<1x128x1024xbf16>
    %get3A_62 = vector.shape_cast %get3A_61 : vector<1x128x1024xbf16> to vector<128x1024xbf16>
    %dot_general3A_63 = arith.constant dense<0.000000e+00> : vector<512x1024xf32>
    %dot_general3A_64 = tpu.matmul %squeeze3A_57, %get3A_62, %dot_general3A_63 {dimension_numbers = #tpu.dot_dimension_numbers<[1], [0], [0], [1], [0, 0, 1, 1], [], []>, transpose_lhs_hint = false} : vector<512x128xbf16>, vector<128x1024xbf16>, vector<512x1024xf32> -> vector<512x1024xf32>
    %add3A_65 = arith.addf %add3A_55, %dot_general3A_64 : vector<512x1024xf32>
    %slice3A_66 = vector.extract_strided_slice %convert_element_type3A_30 {offsets = [0, 3, 0], sizes = [512, 1, 128], strides = [1, 1, 1]} : vector<512x26x128xbf16> to vector<512x1x128xbf16>
    %squeeze3A_67 = vector.shape_cast %slice3A_66 : vector<512x1x128xbf16> to vector<512x128xbf16>
    %get3A_68 = arith.constant 3 : index
    %get3A_69 = arith.constant 0 : index
    %get3A_70 = arith.constant 0 : index
    %get3A_71 = vector.load %arg4[%get3A_68, %get3A_69, %get3A_70] : memref<26x128x1024xbf16, #tpu.memory_space<vmem>>, vector<1x128x1024xbf16>
    %get3A_72 = vector.shape_cast %get3A_71 : vector<1x128x1024xbf16> to vector<128x1024xbf16>
    %dot_general3A_73 = arith.constant dense<0.000000e+00> : vector<512x1024xf32>
    %dot_general3A_74 = tpu.matmul %squeeze3A_67, %get3A_72, %dot_general3A_73 {dimension_numbers = #tpu.dot_dimension_numbers<[1], [0], [0], [1], [0, 0, 1, 1], [], []>, transpose_lhs_hint = false} : vector<512x128xbf16>, vector<128x1024xbf16>, vector<512x1024xf32> -> vector<512x1024xf32>
    %add3A_75 = arith.addf %add3A_65, %dot_general3A_74 : vector<512x1024xf32>
    %slice3A_76 = vector.extract_strided_slice %convert_element_type3A_30 {offsets = [0, 4, 0], sizes = [512, 1, 128], strides = [1, 1, 1]} : vector<512x26x128xbf16> to vector<512x1x128xbf16>
    %squeeze3A_77 = vector.shape_cast %slice3A_76 : vector<512x1x128xbf16> to vector<512x128xbf16>
    %get3A_78 = arith.constant 4 : index
    %get3A_79 = arith.constant 0 : index
    %get3A_80 = arith.constant 0 : index
    %get3A_81 = vector.load %arg4[%get3A_78, %get3A_79, %get3A_80] : memref<26x128x1024xbf16, #tpu.memory_space<vmem>>, vector<1x128x1024xbf16>
    %get3A_82 = vector.shape_cast %get3A_81 : vector<1x128x1024xbf16> to vector<128x1024xbf16>
    %dot_general3A_83 = arith.constant dense<0.000000e+00> : vector<512x1024xf32>
    %dot_general3A_84 = tpu.matmul %squeeze3A_77, %get3A_82, %dot_general3A_83 {dimension_numbers = #tpu.dot_dimension_numbers<[1], [0], [0], [1], [0, 0, 1, 1], [], []>, transpose_lhs_hint = false} : vector<512x128xbf16>, vector<128x1024xbf16>, vector<512x1024xf32> -> vector<512x1024xf32>
    %add3A_85 = arith.addf %add3A_75, %dot_general3A_84 : vector<512x1024xf32>
    %slice3A_86 = vector.extract_strided_slice %convert_element_type3A_30 {offsets = [0, 5, 0], sizes = [512, 1, 128], strides = [1, 1, 1]} : vector<512x26x128xbf16> to vector<512x1x128xbf16>
    %squeeze3A_87 = vector.shape_cast %slice3A_86 : vector<512x1x128xbf16> to vector<512x128xbf16>
    %get3A_88 = arith.constant 5 : index
    %get3A_89 = arith.constant 0 : index
    %get3A_90 = arith.constant 0 : index
    %get3A_91 = vector.load %arg4[%get3A_88, %get3A_89, %get3A_90] : memref<26x128x1024xbf16, #tpu.memory_space<vmem>>, vector<1x128x1024xbf16>
    %get3A_92 = vector.shape_cast %get3A_91 : vector<1x128x1024xbf16> to vector<128x1024xbf16>
    %dot_general3A_93 = arith.constant dense<0.000000e+00> : vector<512x1024xf32>
    %dot_general3A_94 = tpu.matmul %squeeze3A_87, %get3A_92, %dot_general3A_93 {dimension_numbers = #tpu.dot_dimension_numbers<[1], [0], [0], [1], [0, 0, 1, 1], [], []>, transpose_lhs_hint = false} : vector<512x128xbf16>, vector<128x1024xbf16>, vector<512x1024xf32> -> vector<512x1024xf32>
    %add3A_95 = arith.addf %add3A_85, %dot_general3A_94 : vector<512x1024xf32>
    %slice3A_96 = vector.extract_strided_slice %convert_element_type3A_30 {offsets = [0, 6, 0], sizes = [512, 1, 128], strides = [1, 1, 1]} : vector<512x26x128xbf16> to vector<512x1x128xbf16>
    %squeeze3A_97 = vector.shape_cast %slice3A_96 : vector<512x1x128xbf16> to vector<512x128xbf16>
    %get3A_98 = arith.constant 6 : index
    %get3A_99 = arith.constant 0 : index
    %get3A_100 = arith.constant 0 : index
    %get3A_101 = vector.load %arg4[%get3A_98, %get3A_99, %get3A_100] : memref<26x128x1024xbf16, #tpu.memory_space<vmem>>, vector<1x128x1024xbf16>
    %get3A_102 = vector.shape_cast %get3A_101 : vector<1x128x1024xbf16> to vector<128x1024xbf16>
    %dot_general3A_103 = arith.constant dense<0.000000e+00> : vector<512x1024xf32>
    %dot_general3A_104 = tpu.matmul %squeeze3A_97, %get3A_102, %dot_general3A_103 {dimension_numbers = #tpu.dot_dimension_numbers<[1], [0], [0], [1], [0, 0, 1, 1], [], []>, transpose_lhs_hint = false} : vector<512x128xbf16>, vector<128x1024xbf16>, vector<512x1024xf32> -> vector<512x1024xf32>
    %add3A_105 = arith.addf %add3A_95, %dot_general3A_104 : vector<512x1024xf32>
    %slice3A_106 = vector.extract_strided_slice %convert_element_type3A_30 {offsets = [0, 7, 0], sizes = [512, 1, 128], strides = [1, 1, 1]} : vector<512x26x128xbf16> to vector<512x1x128xbf16>
    %squeeze3A_107 = vector.shape_cast %slice3A_106 : vector<512x1x128xbf16> to vector<512x128xbf16>
    %get3A_108 = arith.constant 7 : index
    %get3A_109 = arith.constant 0 : index
    %get3A_110 = arith.constant 0 : index
    %get3A_111 = vector.load %arg4[%get3A_108, %get3A_109, %get3A_110] : memref<26x128x1024xbf16, #tpu.memory_space<vmem>>, vector<1x128x1024xbf16>
    %get3A_112 = vector.shape_cast %get3A_111 : vector<1x128x1024xbf16> to vector<128x1024xbf16>
    %dot_general3A_113 = arith.constant dense<0.000000e+00> : vector<512x1024xf32>
    %dot_general3A_114 = tpu.matmul %squeeze3A_107, %get3A_112, %dot_general3A_113 {dimension_numbers = #tpu.dot_dimension_numbers<[1], [0], [0], [1], [0, 0, 1, 1], [], []>, transpose_lhs_hint = false} : vector<512x128xbf16>, vector<128x1024xbf16>, vector<512x1024xf32> -> vector<512x1024xf32>
    %add3A_115 = arith.addf %add3A_105, %dot_general3A_114 : vector<512x1024xf32>
    %slice3A_116 = vector.extract_strided_slice %convert_element_type3A_30 {offsets = [0, 8, 0], sizes = [512, 1, 128], strides = [1, 1, 1]} : vector<512x26x128xbf16> to vector<512x1x128xbf16>
    %squeeze3A_117 = vector.shape_cast %slice3A_116 : vector<512x1x128xbf16> to vector<512x128xbf16>
    %get3A_118 = arith.constant 8 : index
    %get3A_119 = arith.constant 0 : index
    %get3A_120 = arith.constant 0 : index
    %get3A_121 = vector.load %arg4[%get3A_118, %get3A_119, %get3A_120] : memref<26x128x1024xbf16, #tpu.memory_space<vmem>>, vector<1x128x1024xbf16>
    %get3A_122 = vector.shape_cast %get3A_121 : vector<1x128x1024xbf16> to vector<128x1024xbf16>
    %dot_general3A_123 = arith.constant dense<0.000000e+00> : vector<512x1024xf32>
    %dot_general3A_124 = tpu.matmul %squeeze3A_117, %get3A_122, %dot_general3A_123 {dimension_numbers = #tpu.dot_dimension_numbers<[1], [0], [0], [1], [0, 0, 1, 1], [], []>, transpose_lhs_hint = false} : vector<512x128xbf16>, vector<128x1024xbf16>, vector<512x1024xf32> -> vector<512x1024xf32>
    %add3A_125 = arith.addf %add3A_115, %dot_general3A_124 : vector<512x1024xf32>
    %slice3A_126 = vector.extract_strided_slice %convert_element_type3A_30 {offsets = [0, 9, 0], sizes = [512, 1, 128], strides = [1, 1, 1]} : vector<512x26x128xbf16> to vector<512x1x128xbf16>
    %squeeze3A_127 = vector.shape_cast %slice3A_126 : vector<512x1x128xbf16> to vector<512x128xbf16>
    %get3A_128 = arith.constant 9 : index
    %get3A_129 = arith.constant 0 : index
    %get3A_130 = arith.constant 0 : index
    %get3A_131 = vector.load %arg4[%get3A_128, %get3A_129, %get3A_130] : memref<26x128x1024xbf16, #tpu.memory_space<vmem>>, vector<1x128x1024xbf16>
    %get3A_132 = vector.shape_cast %get3A_131 : vector<1x128x1024xbf16> to vector<128x1024xbf16>
    %dot_general3A_133 = arith.constant dense<0.000000e+00> : vector<512x1024xf32>
    %dot_general3A_134 = tpu.matmul %squeeze3A_127, %get3A_132, %dot_general3A_133 {dimension_numbers = #tpu.dot_dimension_numbers<[1], [0], [0], [1], [0, 0, 1, 1], [], []>, transpose_lhs_hint = false} : vector<512x128xbf16>, vector<128x1024xbf16>, vector<512x1024xf32> -> vector<512x1024xf32>
    %add3A_135 = arith.addf %add3A_125, %dot_general3A_134 : vector<512x1024xf32>
    %slice3A_136 = vector.extract_strided_slice %convert_element_type3A_30 {offsets = [0, 10, 0], sizes = [512, 1, 128], strides = [1, 1, 1]} : vector<512x26x128xbf16> to vector<512x1x128xbf16>
    %squeeze3A_137 = vector.shape_cast %slice3A_136 : vector<512x1x128xbf16> to vector<512x128xbf16>
    %get3A_138 = arith.constant 10 : index
    %get3A_139 = arith.constant 0 : index
    %get3A_140 = arith.constant 0 : index
    %get3A_141 = vector.load %arg4[%get3A_138, %get3A_139, %get3A_140] : memref<26x128x1024xbf16, #tpu.memory_space<vmem>>, vector<1x128x1024xbf16>
    %get3A_142 = vector.shape_cast %get3A_141 : vector<1x128x1024xbf16> to vector<128x1024xbf16>
    %dot_general3A_143 = arith.constant dense<0.000000e+00> : vector<512x1024xf32>
    %dot_general3A_144 = tpu.matmul %squeeze3A_137, %get3A_142, %dot_general3A_143 {dimension_numbers = #tpu.dot_dimension_numbers<[1], [0], [0], [1], [0, 0, 1, 1], [], []>, transpose_lhs_hint = false} : vector<512x128xbf16>, vector<128x1024xbf16>, vector<512x1024xf32> -> vector<512x1024xf32>
    %add3A_145 = arith.addf %add3A_135, %dot_general3A_144 : vector<512x1024xf32>
    %slice3A_146 = vector.extract_strided_slice %convert_element_type3A_30 {offsets = [0, 11, 0], sizes = [512, 1, 128], strides = [1, 1, 1]} : vector<512x26x128xbf16> to vector<512x1x128xbf16>
    %squeeze3A_147 = vector.shape_cast %slice3A_146 : vector<512x1x128xbf16> to vector<512x128xbf16>
    %get3A_148 = arith.constant 11 : index
    %get3A_149 = arith.constant 0 : index
    %get3A_150 = arith.constant 0 : index
    %get3A_151 = vector.load %arg4[%get3A_148, %get3A_149, %get3A_150] : memref<26x128x1024xbf16, #tpu.memory_space<vmem>>, vector<1x128x1024xbf16>
    %get3A_152 = vector.shape_cast %get3A_151 : vector<1x128x1024xbf16> to vector<128x1024xbf16>
    %dot_general3A_153 = arith.constant dense<0.000000e+00> : vector<512x1024xf32>
    %dot_general3A_154 = tpu.matmul %squeeze3A_147, %get3A_152, %dot_general3A_153 {dimension_numbers = #tpu.dot_dimension_numbers<[1], [0], [0], [1], [0, 0, 1, 1], [], []>, transpose_lhs_hint = false} : vector<512x128xbf16>, vector<128x1024xbf16>, vector<512x1024xf32> -> vector<512x1024xf32>
    %add3A_155 = arith.addf %add3A_145, %dot_general3A_154 : vector<512x1024xf32>
    %slice3A_156 = vector.extract_strided_slice %convert_element_type3A_30 {offsets = [0, 12, 0], sizes = [512, 1, 128], strides = [1, 1, 1]} : vector<512x26x128xbf16> to vector<512x1x128xbf16>
    %squeeze3A_157 = vector.shape_cast %slice3A_156 : vector<512x1x128xbf16> to vector<512x128xbf16>
    %get3A_158 = arith.constant 12 : index
    %get3A_159 = arith.constant 0 : index
    %get3A_160 = arith.constant 0 : index
    %get3A_161 = vector.load %arg4[%get3A_158, %get3A_159, %get3A_160] : memref<26x128x1024xbf16, #tpu.memory_space<vmem>>, vector<1x128x1024xbf16>
    %get3A_162 = vector.shape_cast %get3A_161 : vector<1x128x1024xbf16> to vector<128x1024xbf16>
    %dot_general3A_163 = arith.constant dense<0.000000e+00> : vector<512x1024xf32>
    %dot_general3A_164 = tpu.matmul %squeeze3A_157, %get3A_162, %dot_general3A_163 {dimension_numbers = #tpu.dot_dimension_numbers<[1], [0], [0], [1], [0, 0, 1, 1], [], []>, transpose_lhs_hint = false} : vector<512x128xbf16>, vector<128x1024xbf16>, vector<512x1024xf32> -> vector<512x1024xf32>
    %add3A_165 = arith.addf %add3A_155, %dot_general3A_164 : vector<512x1024xf32>
    %slice3A_166 = vector.extract_strided_slice %convert_element_type3A_30 {offsets = [0, 13, 0], sizes = [512, 1, 128], strides = [1, 1, 1]} : vector<512x26x128xbf16> to vector<512x1x128xbf16>
    %squeeze3A_167 = vector.shape_cast %slice3A_166 : vector<512x1x128xbf16> to vector<512x128xbf16>
    %get3A_168 = arith.constant 13 : index
    %get3A_169 = arith.constant 0 : index
    %get3A_170 = arith.constant 0 : index
    %get3A_171 = vector.load %arg4[%get3A_168, %get3A_169, %get3A_170] : memref<26x128x1024xbf16, #tpu.memory_space<vmem>>, vector<1x128x1024xbf16>
    %get3A_172 = vector.shape_cast %get3A_171 : vector<1x128x1024xbf16> to vector<128x1024xbf16>
    %dot_general3A_173 = arith.constant dense<0.000000e+00> : vector<512x1024xf32>
    %dot_general3A_174 = tpu.matmul %squeeze3A_167, %get3A_172, %dot_general3A_173 {dimension_numbers = #tpu.dot_dimension_numbers<[1], [0], [0], [1], [0, 0, 1, 1], [], []>, transpose_lhs_hint = false} : vector<512x128xbf16>, vector<128x1024xbf16>, vector<512x1024xf32> -> vector<512x1024xf32>
    %add3A_175 = arith.addf %add3A_165, %dot_general3A_174 : vector<512x1024xf32>
    %slice3A_176 = vector.extract_strided_slice %convert_element_type3A_30 {offsets = [0, 14, 0], sizes = [512, 1, 128], strides = [1, 1, 1]} : vector<512x26x128xbf16> to vector<512x1x128xbf16>
    %squeeze3A_177 = vector.shape_cast %slice3A_176 : vector<512x1x128xbf16> to vector<512x128xbf16>
    %get3A_178 = arith.constant 14 : index
    %get3A_179 = arith.constant 0 : index
    %get3A_180 = arith.constant 0 : index
    %get3A_181 = vector.load %arg4[%get3A_178, %get3A_179, %get3A_180] : memref<26x128x1024xbf16, #tpu.memory_space<vmem>>, vector<1x128x1024xbf16>
    %get3A_182 = vector.shape_cast %get3A_181 : vector<1x128x1024xbf16> to vector<128x1024xbf16>
    %dot_general3A_183 = arith.constant dense<0.000000e+00> : vector<512x1024xf32>
    %dot_general3A_184 = tpu.matmul %squeeze3A_177, %get3A_182, %dot_general3A_183 {dimension_numbers = #tpu.dot_dimension_numbers<[1], [0], [0], [1], [0, 0, 1, 1], [], []>, transpose_lhs_hint = false} : vector<512x128xbf16>, vector<128x1024xbf16>, vector<512x1024xf32> -> vector<512x1024xf32>
    %add3A_185 = arith.addf %add3A_175, %dot_general3A_184 : vector<512x1024xf32>
    %slice3A_186 = vector.extract_strided_slice %convert_element_type3A_30 {offsets = [0, 15, 0], sizes = [512, 1, 128], strides = [1, 1, 1]} : vector<512x26x128xbf16> to vector<512x1x128xbf16>
    %squeeze3A_187 = vector.shape_cast %slice3A_186 : vector<512x1x128xbf16> to vector<512x128xbf16>
    %get3A_188 = arith.constant 15 : index
    %get3A_189 = arith.constant 0 : index
    %get3A_190 = arith.constant 0 : index
    %get3A_191 = vector.load %arg4[%get3A_188, %get3A_189, %get3A_190] : memref<26x128x1024xbf16, #tpu.memory_space<vmem>>, vector<1x128x1024xbf16>
    %get3A_192 = vector.shape_cast %get3A_191 : vector<1x128x1024xbf16> to vector<128x1024xbf16>
    %dot_general3A_193 = arith.constant dense<0.000000e+00> : vector<512x1024xf32>
    %dot_general3A_194 = tpu.matmul %squeeze3A_187, %get3A_192, %dot_general3A_193 {dimension_numbers = #tpu.dot_dimension_numbers<[1], [0], [0], [1], [0, 0, 1, 1], [], []>, transpose_lhs_hint = false} : vector<512x128xbf16>, vector<128x1024xbf16>, vector<512x1024xf32> -> vector<512x1024xf32>
    %add3A_195 = arith.addf %add3A_185, %dot_general3A_194 : vector<512x1024xf32>
    %slice3A_196 = vector.extract_strided_slice %convert_element_type3A_30 {offsets = [0, 16, 0], sizes = [512, 1, 128], strides = [1, 1, 1]} : vector<512x26x128xbf16> to vector<512x1x128xbf16>
    %squeeze3A_197 = vector.shape_cast %slice3A_196 : vector<512x1x128xbf16> to vector<512x128xbf16>
    %get3A_198 = arith.constant 16 : index
    %get3A_199 = arith.constant 0 : index
    %get3A_200 = arith.constant 0 : index
    %get3A_201 = vector.load %arg4[%get3A_198, %get3A_199, %get3A_200] : memref<26x128x1024xbf16, #tpu.memory_space<vmem>>, vector<1x128x1024xbf16>
    %get3A_202 = vector.shape_cast %get3A_201 : vector<1x128x1024xbf16> to vector<128x1024xbf16>
    %dot_general3A_203 = arith.constant dense<0.000000e+00> : vector<512x1024xf32>
    %dot_general3A_204 = tpu.matmul %squeeze3A_197, %get3A_202, %dot_general3A_203 {dimension_numbers = #tpu.dot_dimension_numbers<[1], [0], [0], [1], [0, 0, 1, 1], [], []>, transpose_lhs_hint = false} : vector<512x128xbf16>, vector<128x1024xbf16>, vector<512x1024xf32> -> vector<512x1024xf32>
    %add3A_205 = arith.addf %add3A_195, %dot_general3A_204 : vector<512x1024xf32>
    %slice3A_206 = vector.extract_strided_slice %convert_element_type3A_30 {offsets = [0, 17, 0], sizes = [512, 1, 128], strides = [1, 1, 1]} : vector<512x26x128xbf16> to vector<512x1x128xbf16>
    %squeeze3A_207 = vector.shape_cast %slice3A_206 : vector<512x1x128xbf16> to vector<512x128xbf16>
    %get3A_208 = arith.constant 17 : index
    %get3A_209 = arith.constant 0 : index
    %get3A_210 = arith.constant 0 : index
    %get3A_211 = vector.load %arg4[%get3A_208, %get3A_209, %get3A_210] : memref<26x128x1024xbf16, #tpu.memory_space<vmem>>, vector<1x128x1024xbf16>
    %get3A_212 = vector.shape_cast %get3A_211 : vector<1x128x1024xbf16> to vector<128x1024xbf16>
    %dot_general3A_213 = arith.constant dense<0.000000e+00> : vector<512x1024xf32>
    %dot_general3A_214 = tpu.matmul %squeeze3A_207, %get3A_212, %dot_general3A_213 {dimension_numbers = #tpu.dot_dimension_numbers<[1], [0], [0], [1], [0, 0, 1, 1], [], []>, transpose_lhs_hint = false} : vector<512x128xbf16>, vector<128x1024xbf16>, vector<512x1024xf32> -> vector<512x1024xf32>
    %add3A_215 = arith.addf %add3A_205, %dot_general3A_214 : vector<512x1024xf32>
    %slice3A_216 = vector.extract_strided_slice %convert_element_type3A_30 {offsets = [0, 18, 0], sizes = [512, 1, 128], strides = [1, 1, 1]} : vector<512x26x128xbf16> to vector<512x1x128xbf16>
    %squeeze3A_217 = vector.shape_cast %slice3A_216 : vector<512x1x128xbf16> to vector<512x128xbf16>
    %get3A_218 = arith.constant 18 : index
    %get3A_219 = arith.constant 0 : index
    %get3A_220 = arith.constant 0 : index
    %get3A_221 = vector.load %arg4[%get3A_218, %get3A_219, %get3A_220] : memref<26x128x1024xbf16, #tpu.memory_space<vmem>>, vector<1x128x1024xbf16>
    %get3A_222 = vector.shape_cast %get3A_221 : vector<1x128x1024xbf16> to vector<128x1024xbf16>
    %dot_general3A_223 = arith.constant dense<0.000000e+00> : vector<512x1024xf32>
    %dot_general3A_224 = tpu.matmul %squeeze3A_217, %get3A_222, %dot_general3A_223 {dimension_numbers = #tpu.dot_dimension_numbers<[1], [0], [0], [1], [0, 0, 1, 1], [], []>, transpose_lhs_hint = false} : vector<512x128xbf16>, vector<128x1024xbf16>, vector<512x1024xf32> -> vector<512x1024xf32>
    %add3A_225 = arith.addf %add3A_215, %dot_general3A_224 : vector<512x1024xf32>
    %slice3A_226 = vector.extract_strided_slice %convert_element_type3A_30 {offsets = [0, 19, 0], sizes = [512, 1, 128], strides = [1, 1, 1]} : vector<512x26x128xbf16> to vector<512x1x128xbf16>
    %squeeze3A_227 = vector.shape_cast %slice3A_226 : vector<512x1x128xbf16> to vector<512x128xbf16>
    %get3A_228 = arith.constant 19 : index
    %get3A_229 = arith.constant 0 : index
    %get3A_230 = arith.constant 0 : index
    %get3A_231 = vector.load %arg4[%get3A_228, %get3A_229, %get3A_230] : memref<26x128x1024xbf16, #tpu.memory_space<vmem>>, vector<1x128x1024xbf16>
    %get3A_232 = vector.shape_cast %get3A_231 : vector<1x128x1024xbf16> to vector<128x1024xbf16>
    %dot_general3A_233 = arith.constant dense<0.000000e+00> : vector<512x1024xf32>
    %dot_general3A_234 = tpu.matmul %squeeze3A_227, %get3A_232, %dot_general3A_233 {dimension_numbers = #tpu.dot_dimension_numbers<[1], [0], [0], [1], [0, 0, 1, 1], [], []>, transpose_lhs_hint = false} : vector<512x128xbf16>, vector<128x1024xbf16>, vector<512x1024xf32> -> vector<512x1024xf32>
    %add3A_235 = arith.addf %add3A_225, %dot_general3A_234 : vector<512x1024xf32>
    %slice3A_236 = vector.extract_strided_slice %convert_element_type3A_30 {offsets = [0, 20, 0], sizes = [512, 1, 128], strides = [1, 1, 1]} : vector<512x26x128xbf16> to vector<512x1x128xbf16>
    %squeeze3A_237 = vector.shape_cast %slice3A_236 : vector<512x1x128xbf16> to vector<512x128xbf16>
    %get3A_238 = arith.constant 20 : index
    %get3A_239 = arith.constant 0 : index
    %get3A_240 = arith.constant 0 : index
    %get3A_241 = vector.load %arg4[%get3A_238, %get3A_239, %get3A_240] : memref<26x128x1024xbf16, #tpu.memory_space<vmem>>, vector<1x128x1024xbf16>
    %get3A_242 = vector.shape_cast %get3A_241 : vector<1x128x1024xbf16> to vector<128x1024xbf16>
    %dot_general3A_243 = arith.constant dense<0.000000e+00> : vector<512x1024xf32>
    %dot_general3A_244 = tpu.matmul %squeeze3A_237, %get3A_242, %dot_general3A_243 {dimension_numbers = #tpu.dot_dimension_numbers<[1], [0], [0], [1], [0, 0, 1, 1], [], []>, transpose_lhs_hint = false} : vector<512x128xbf16>, vector<128x1024xbf16>, vector<512x1024xf32> -> vector<512x1024xf32>
    %add3A_245 = arith.addf %add3A_235, %dot_general3A_244 : vector<512x1024xf32>
    %slice3A_246 = vector.extract_strided_slice %convert_element_type3A_30 {offsets = [0, 21, 0], sizes = [512, 1, 128], strides = [1, 1, 1]} : vector<512x26x128xbf16> to vector<512x1x128xbf16>
    %squeeze3A_247 = vector.shape_cast %slice3A_246 : vector<512x1x128xbf16> to vector<512x128xbf16>
    %get3A_248 = arith.constant 21 : index
    %get3A_249 = arith.constant 0 : index
    %get3A_250 = arith.constant 0 : index
    %get3A_251 = vector.load %arg4[%get3A_248, %get3A_249, %get3A_250] : memref<26x128x1024xbf16, #tpu.memory_space<vmem>>, vector<1x128x1024xbf16>
    %get3A_252 = vector.shape_cast %get3A_251 : vector<1x128x1024xbf16> to vector<128x1024xbf16>
    %dot_general3A_253 = arith.constant dense<0.000000e+00> : vector<512x1024xf32>
    %dot_general3A_254 = tpu.matmul %squeeze3A_247, %get3A_252, %dot_general3A_253 {dimension_numbers = #tpu.dot_dimension_numbers<[1], [0], [0], [1], [0, 0, 1, 1], [], []>, transpose_lhs_hint = false} : vector<512x128xbf16>, vector<128x1024xbf16>, vector<512x1024xf32> -> vector<512x1024xf32>
    %add3A_255 = arith.addf %add3A_245, %dot_general3A_254 : vector<512x1024xf32>
    %slice3A_256 = vector.extract_strided_slice %convert_element_type3A_30 {offsets = [0, 22, 0], sizes = [512, 1, 128], strides = [1, 1, 1]} : vector<512x26x128xbf16> to vector<512x1x128xbf16>
    %squeeze3A_257 = vector.shape_cast %slice3A_256 : vector<512x1x128xbf16> to vector<512x128xbf16>
    %get3A_258 = arith.constant 22 : index
    %get3A_259 = arith.constant 0 : index
    %get3A_260 = arith.constant 0 : index
    %get3A_261 = vector.load %arg4[%get3A_258, %get3A_259, %get3A_260] : memref<26x128x1024xbf16, #tpu.memory_space<vmem>>, vector<1x128x1024xbf16>
    %get3A_262 = vector.shape_cast %get3A_261 : vector<1x128x1024xbf16> to vector<128x1024xbf16>
    %dot_general3A_263 = arith.constant dense<0.000000e+00> : vector<512x1024xf32>
    %dot_general3A_264 = tpu.matmul %squeeze3A_257, %get3A_262, %dot_general3A_263 {dimension_numbers = #tpu.dot_dimension_numbers<[1], [0], [0], [1], [0, 0, 1, 1], [], []>, transpose_lhs_hint = false} : vector<512x128xbf16>, vector<128x1024xbf16>, vector<512x1024xf32> -> vector<512x1024xf32>
    %add3A_265 = arith.addf %add3A_255, %dot_general3A_264 : vector<512x1024xf32>
    %slice3A_266 = vector.extract_strided_slice %convert_element_type3A_30 {offsets = [0, 23, 0], sizes = [512, 1, 128], strides = [1, 1, 1]} : vector<512x26x128xbf16> to vector<512x1x128xbf16>
    %squeeze3A_267 = vector.shape_cast %slice3A_266 : vector<512x1x128xbf16> to vector<512x128xbf16>
    %get3A_268 = arith.constant 23 : index
    %get3A_269 = arith.constant 0 : index
    %get3A_270 = arith.constant 0 : index
    %get3A_271 = vector.load %arg4[%get3A_268, %get3A_269, %get3A_270] : memref<26x128x1024xbf16, #tpu.memory_space<vmem>>, vector<1x128x1024xbf16>
    %get3A_272 = vector.shape_cast %get3A_271 : vector<1x128x1024xbf16> to vector<128x1024xbf16>
    %dot_general3A_273 = arith.constant dense<0.000000e+00> : vector<512x1024xf32>
    %dot_general3A_274 = tpu.matmul %squeeze3A_267, %get3A_272, %dot_general3A_273 {dimension_numbers = #tpu.dot_dimension_numbers<[1], [0], [0], [1], [0, 0, 1, 1], [], []>, transpose_lhs_hint = false} : vector<512x128xbf16>, vector<128x1024xbf16>, vector<512x1024xf32> -> vector<512x1024xf32>
    %add3A_275 = arith.addf %add3A_265, %dot_general3A_274 : vector<512x1024xf32>
    %slice3A_276 = vector.extract_strided_slice %convert_element_type3A_30 {offsets = [0, 24, 0], sizes = [512, 1, 128], strides = [1, 1, 1]} : vector<512x26x128xbf16> to vector<512x1x128xbf16>
    %squeeze3A_277 = vector.shape_cast %slice3A_276 : vector<512x1x128xbf16> to vector<512x128xbf16>
    %get3A_278 = arith.constant 24 : index
    %get3A_279 = arith.constant 0 : index
    %get3A_280 = arith.constant 0 : index
    %get3A_281 = vector.load %arg4[%get3A_278, %get3A_279, %get3A_280] : memref<26x128x1024xbf16, #tpu.memory_space<vmem>>, vector<1x128x1024xbf16>
    %get3A_282 = vector.shape_cast %get3A_281 : vector<1x128x1024xbf16> to vector<128x1024xbf16>
    %dot_general3A_283 = arith.constant dense<0.000000e+00> : vector<512x1024xf32>
    %dot_general3A_284 = tpu.matmul %squeeze3A_277, %get3A_282, %dot_general3A_283 {dimension_numbers = #tpu.dot_dimension_numbers<[1], [0], [0], [1], [0, 0, 1, 1], [], []>, transpose_lhs_hint = false} : vector<512x128xbf16>, vector<128x1024xbf16>, vector<512x1024xf32> -> vector<512x1024xf32>
    %add3A_285 = arith.addf %add3A_275, %dot_general3A_284 : vector<512x1024xf32>
    %slice3A_286 = vector.extract_strided_slice %convert_element_type3A_30 {offsets = [0, 25, 0], sizes = [512, 1, 128], strides = [1, 1, 1]} : vector<512x26x128xbf16> to vector<512x1x128xbf16>
    %squeeze3A_287 = vector.shape_cast %slice3A_286 : vector<512x1x128xbf16> to vector<512x128xbf16>
    %get3A_288 = arith.constant 25 : index
    %get3A_289 = arith.constant 0 : index
    %get3A_290 = arith.constant 0 : index
    %get3A_291 = vector.load %arg4[%get3A_288, %get3A_289, %get3A_290] : memref<26x128x1024xbf16, #tpu.memory_space<vmem>>, vector<1x128x1024xbf16>
    %get3A_292 = vector.shape_cast %get3A_291 : vector<1x128x1024xbf16> to vector<128x1024xbf16>
    %dot_general3A_293 = arith.constant dense<0.000000e+00> : vector<512x1024xf32>
    %dot_general3A_294 = tpu.matmul %squeeze3A_287, %get3A_292, %dot_general3A_293 {dimension_numbers = #tpu.dot_dimension_numbers<[1], [0], [0], [1], [0, 0, 1, 1], [], []>, transpose_lhs_hint = false} : vector<512x128xbf16>, vector<128x1024xbf16>, vector<512x1024xf32> -> vector<512x1024xf32>
    %add3A_295 = arith.addf %add3A_285, %dot_general3A_294 : vector<512x1024xf32>
    %get3A_296 = arith.constant 0 : index
    %get3A_297 = arith.constant 0 : index
    %get3A_298 = vector.load %arg6[%get3A_296, %get3A_297] : memref<1x1024xf32, #tpu.memory_space<vmem>>, vector<1x1024xf32>
    %add3A_299 = vector.broadcast %get3A_298 : vector<1x1024xf32> to vector<512x1024xf32>
    %add3A_300 = arith.addf %add3A_295, %add3A_299 : vector<512x1024xf32>
    %max3A = arith.constant 0.000000e+00 : f32
    %max3A_301 = vector.broadcast %max3A : f32 to vector<512x1024xf32>
    %max3A_302 = arith.maximumf %add3A_300, %max3A_301 : vector<512x1024xf32>
    %convert_element_type3A_303 = arith.truncf %max3A_302 : vector<512x1024xf32> to vector<512x1024xbf16>
    %get3A_304 = arith.constant 0 : index
    %get3A_305 = arith.constant 0 : index
    %get3A_306 = vector.load %arg7[%get3A_304, %get3A_305] : memref<1024x512xbf16, #tpu.memory_space<vmem>>, vector<1024x512xbf16>
    %dot_general3A_307 = arith.constant dense<0.000000e+00> : vector<512x512xf32>
    %dot_general3A_308 = tpu.matmul %convert_element_type3A_303, %get3A_306, %dot_general3A_307 {dimension_numbers = #tpu.dot_dimension_numbers<[1], [0], [0], [1], [0, 0, 1, 1], [], []>, transpose_lhs_hint = false} : vector<512x1024xbf16>, vector<1024x512xbf16>, vector<512x512xf32> -> vector<512x512xf32>
    %get3A_309 = arith.constant 0 : index
    %get3A_310 = arith.constant 0 : index
    %get3A_311 = vector.load %arg8[%get3A_309, %get3A_310] : memref<1x512xf32, #tpu.memory_space<vmem>>, vector<1x512xf32>
    %add3A_312 = vector.broadcast %get3A_311 : vector<1x512xf32> to vector<512x512xf32>
    %add3A_313 = arith.addf %dot_general3A_308, %add3A_312 : vector<512x512xf32>
    %max3A_314 = arith.constant 0.000000e+00 : f32
    %max3A_315 = vector.broadcast %max3A_314 : f32 to vector<512x512xf32>
    %max3A_316 = arith.maximumf %add3A_313, %max3A_315 : vector<512x512xf32>
    %convert_element_type3A_317 = arith.truncf %max3A_316 : vector<512x512xf32> to vector<512x512xbf16>
    %get3A_318 = arith.constant 0 : index
    %get3A_319 = arith.constant 0 : index
    %get3A_320 = vector.load %arg9[%get3A_318, %get3A_319] : memref<512x1xbf16, #tpu.memory_space<vmem>>, vector<512x1xbf16>
    %dot_general3A_321 = arith.constant dense<0.000000e+00> : vector<512x1xf32>
    %dot_general3A_322 = tpu.matmul %convert_element_type3A_317, %get3A_320, %dot_general3A_321 {dimension_numbers = #tpu.dot_dimension_numbers<[1], [0], [0], [1], [0, 0, 1, 1], [], []>, transpose_lhs_hint = false} : vector<512x512xbf16>, vector<512x1xbf16>, vector<512x1xf32> -> vector<512x1xf32>
    %get3A_323 = arith.constant 0 : index
    %get3A_324 = arith.constant 0 : index
    %get3A_325 = vector.load %arg10[%get3A_323, %get3A_324] : memref<1x1xf32, #tpu.memory_space<vmem>>, vector<1x1xf32>
    %add3A_326 = vector.broadcast %get3A_325 : vector<1x1xf32> to vector<512x1xf32>
    %add3A_327 = arith.addf %dot_general3A_322, %add3A_326 : vector<512x1xf32>
    %logistic3A = arith.negf %add3A_327 : vector<512x1xf32>
    %logistic3A_328 = math.exp %logistic3A : vector<512x1xf32>
    %logistic3A_329 = arith.constant 1.000000e+00 : f32
    %logistic3A_330 = vector.broadcast %logistic3A_329 : f32 to vector<512x1xf32>
    %logistic3A_331 = arith.addf %logistic3A_330, %logistic3A_328 : vector<512x1xf32>
    %logistic3A_332 = arith.divf %logistic3A_330, %logistic3A_331 : vector<512x1xf32>
    %swap3A = arith.constant 0 : index
    %swap3A_333 = arith.constant 0 : index
    %swap3A_334 = vector.load %arg11[%swap3A, %swap3A_333] : memref<512x1xf32, #tpu.memory_space<vmem>>, vector<512x1xf32>
    tpu.vector_store %arg11[%swap3A, %swap3A_333], %logistic3A_332 {strides = array<i32>} : memref<512x1xf32, #tpu.memory_space<vmem>>, vector<512x1xf32>,
    return
  }
  func.func @transform_0(%arg0: i32) -> (i32, i32) {
    %c0_i32 = arith.constant 0 : i32
    %c0_i32_0 = arith.constant 0 : i32
    return %arg0, %c0_i32 : i32, i32
  }
  func.func @transform_1(%arg0: i32) -> (i32, i32) {
    %c0_i32 = arith.constant 0 : i32
    %c0_i32_0 = arith.constant 0 : i32
    return %arg0, %c0_i32 : i32, i32
  }
  func.func @transform_2(%arg0: i32) -> (i32, i32) {
    %c0_i32 = arith.constant 0 : i32
    %c0_i32_0 = arith.constant 0 : i32
    return %arg0, %c0_i32 : i32, i32
  }
  func.func @transform_3(%arg0: i32) -> (i32, i32, i32) {
    %c0_i32 = arith.constant 0 : i32
    %c0_i32_0 = arith.constant 0 : i32
    %c0_i32_1 = arith.constant 0 : i32
    %c0_i32_2 = arith.constant 0 : i32
    return %c0_i32, %c0_i32_0, %c0_i32_1 : i32, i32, i32
  }
  func.func @transform_4(%arg0: i32) -> (i32, i32) {
    %c0_i32 = arith.constant 0 : i32
    %c0_i32_0 = arith.constant 0 : i32
    %c0_i32_1 = arith.constant 0 : i32
    return %c0_i32, %c0_i32_0 : i32, i32
  }
  func.func @transform_5(%arg0: i32) -> (i32, i32) {
    %c0_i32 = arith.constant 0 : i32
    %c0_i32_0 = arith.constant 0 : i32
    %c0_i32_1 = arith.constant 0 : i32
    return %c0_i32, %c0_i32_0 : i32, i32
  }
  func.func @transform_6(%arg0: i32) -> (i32, i32) {
    %c0_i32 = arith.constant 0 : i32
    %c0_i32_0 = arith.constant 0 : i32
    %c0_i32_1 = arith.constant 0 : i32
    return %c0_i32, %c0_i32_0 : i32, i32
  }
  func.func @transform_7(%arg0: i32) -> (i32, i32) {
    %c0_i32 = arith.constant 0 : i32
    %c0_i32_0 = arith.constant 0 : i32
    %c0_i32_1 = arith.constant 0 : i32
    return %c0_i32, %c0_i32_0 : i32, i32
  }
  func.func @transform_8(%arg0: i32) -> (i32, i32) {
    %c0_i32 = arith.constant 0 : i32
    %c0_i32_0 = arith.constant 0 : i32
    %c0_i32_1 = arith.constant 0 : i32
    return %c0_i32, %c0_i32_0 : i32, i32
  }
  func.func @transform_9(%arg0: i32) -> (i32, i32) {
    %c0_i32 = arith.constant 0 : i32
    %c0_i32_0 = arith.constant 0 : i32
    %c0_i32_1 = arith.constant 0 : i32
    return %c0_i32, %c0_i32_0 : i32, i32
  }
  func.func @transform_10(%arg0: i32) -> (i32, i32) {
    %c0_i32 = arith.constant 0 : i32
    %c0_i32_0 = arith.constant 0 : i32
    return %arg0, %c0_i32 : i32, i32
  }
}

</mosaic_0001>

<sc_bundles>
// kernel: kernel.4.cloned.1.call-start
scs
__scs_entry_jumppad:
0x0: {  	(pc) =	sbr.rel $0x88, $3  }
0x1: {  	(tag) =	ssettag $0x0;
	lr =	simm.s32 $0x1  }
0x2: {  	[smem:$0x3F98] =	sst lr;
	_ =	strace $0xD0000000  }
0x3: {  	_ = 	snop  }
0x4: {  	_ = 	snop  }
0x5: {  	_ = 	snop  }
0x6: {  	_ = 	snop  }
0x7: {  	_ = 	snop  }
__scs_overlays_trampoline_lowered:
0x8: {  	[smem:$0x3FA7] =	sst s0  }
0x9: {  	[smem:$0x3FA8] =	sst s1  }
0xa: {  	[smem:$0x3FA9] =	sst s2  }
0xb: {  	[smem:$0x3FAA] =	sst s3  }
0xc: {  	[smem:$0x3FAB] =	sst s4  }
0xd: {  	[smem:$0x3FAC] =	sst s5  }
0xe: {  	[smem:$0x3FAD] =	sst s6  }
0xf: {  	[smem:$0x3FAE] =	sst s7  }
0x10: {  	[smem:$0x3FAF] =	sst s8  }
0x11: {  	[smem:$0x3FB0] =	sst s9;
	s0 =	simm.s32 @!p0 $0x0  }
0x12: {  	s1 =	sld [smem:$0x3F96];
	s0 =	simm.s32 @p0 $0x1  }
0x13: {  	[smem:$0x3FB1] =	sst s0;
	s0 =	simm.s32 @!p1 $0x0  }
0x14: {  	s2 =	sld [smem:$0x3F95];
	s0 =	simm.s32 @p1 $0x1  }
0x15: {  	[smem:$0x3FB2] =	sst s0;
	s0 =	simm.s32 @!p2 $0x0  }
0x16: {  	s3 =	sld [smem:$0x3FDB];
	s0 =	simm.s32 @p2 $0x1  }
0x17: {  	s4 =	simm.s32 $0x1BF5;
	[smem:$0x3FB4] =	sst s0  }
0x18: {  	s0 =	sld [smem:$0x3F97];
	_ =	swait.ge [sflag:s4], $0x0  }
0x19: {  	s7 =	sld [smem:$0x3F98]  }
0x1a: {  	s8 =	sadd.s32 $0xFFFFE003, lr  }
0x1b: {  	s9 =	sadd.s32 $0xFFFFFEF7, lr;
	s5 =	simm.s32 $0xFFFFFFFF;
	p2 =	slt.u32 s8, $0xFFFFF086  }
0x1c: {  	p1 =	slt.u32 s9, $0xF7A;
	s5 =	simm.s32 @!p2 $0x0  }
0x1d: {  	s5 =	simm.s32 @p1 $0x1;
	p0 =	seq.s32 s7, s2  }
0x1e: {  	s7 =	smul.u32 @!p0 $0xF7A, s2;
	p2 =	seq.s32 @!p0 s5, $0x0  }
0x1f: {  	s9 =	smul.u32 $0xF7A, s1;
	s8 =	simm.s32 @!p0 $0x1BF5;
	p2 =	por !p2, p0  }
0x20: {  	[sflag:s8] =	ssyncset.s32 @!p0 $0xFFFFF086;
	s6 =	sadd.s32 @!p0 s3, s7;
	s7 =	simm.s32 @!p0 $0x108  }
0x21: {  	s3 =	sadd.s32 s3, s9;
	s6 =	sadd.s32 @!p0 $0x88, s6;
	s7 =	simm.s32 @p2 $0x1082  }
0x22: {  	[simem:s7], [sflag:s8] =	dma.local @!p0 [hbm:s6], $0xF7A  }
0x23: {  	s9 =	sor.u32 $0xD0000000, s2;
	s6 =	simm.s32 $0x108;
	_ =	swait.ge @!p0 [sflag:s8], $0x0  }
0x24: {  	s3 =	sadd.s32 $0x88, s3;
	s6 =	simm.s32 @!p1 $0x1082;
	[sflag:s4] =	ssyncset.s32 $0xFFFFF086  }
0x25: {  	[simem:s6], [sflag:s4] =	dma.local [hbm:s3], $0xF7A  }
0x26: {  	[smem:$0x3F98] =	sst s1;
	(tag) =	ssettag s2;
	_ =	strace s9  }
0x27: {  	s1 =	sld [smem:$0x3FA8]  }
0x28: {  	s2 =	sld [smem:$0x3FA9]  }
0x29: {  	s4 =	sld [smem:$0x3FAB]  }
0x2a: {  	p0 =	seq.s32 s5, $0x0;
	s5 =	sld [smem:$0x3FAC]  }
0x2b: {  	s6 =	sld [smem:$0x3FAD]  }
0x2c: {  	s7 =	sld [smem:$0x3FAE]  }
0x2d: {  	s3 =	simm.s32 $0x108;
	s8 =	sld [smem:$0x3FAF]  }
0x2e: {  	s3 =	simm.s32 @!p0 $0x1082;
	s9 =	sld [smem:$0x3FB0]  }
0x2f: {  	lr =	sadd.s32 s0, s3;
	s0 =	sld [smem:$0x3FA7]  }
0x30: {  	s3 =	sld [smem:$0x3FAA]  }
0x31: {  	[smem:$0x3FB3] =	sst s10  }
0x32: {  	s10 =	sld [smem:$0x3FB1];
	_ =	sdelay $0x3  }
0x33: {  	p0 =	seq.s32 s10, $0x1;
	s10 =	sld [smem:$0x3FB3];
	_ =	sdelay $0x3  }
0x34: {  	[smem:$0x3FB3] =	sst s10  }
0x35: {  	s10 =	sld [smem:$0x3FB2];
	_ =	sdelay $0x3  }
0x36: {  	p1 =	seq.s32 s10, $0x1;
	s10 =	sld [smem:$0x3FB3];
	_ =	sdelay $0x3  }
0x37: {  	[smem:$0x3FB3] =	sst s10  }
0x38: {  	s10 =	sld [smem:$0x3FB4]  }
0x39: {  	_ = 	snop;
	(pc) =	sbr.ind lr, $3  }
0x3a: {  	_ = 	snop  }
0x3b: {  	_ = 	snop  }
0x3c: {  	p2 =	seq.s32 s10, $0x1;
	s10 =	sld [smem:$0x3FB3]  }
0x3d: {  	_ =	shalt  }
0x3e: {  	_ =	shalt  }
0x3f: {  	_ =	shalt  }
0x40: {  	_ =	shalt  }
0x41: {  	_ =	shalt  }
0x42: {  	_ =	shalt  }
0x43: {  	_ =	shalt  }
0x44: {  	_ =	shalt  }
0x45: {  	_ =	shalt  }
0x46: {  	_ =	shalt  }
0x47: {  	_ =	shalt  }
0x48: {  	_ =	shalt  }
0x49: {  	_ =	shalt  }
0x4a: {  	_ =	shalt  }
0x4b: {  	_ =	shalt  }
0x4c: {  	_ =	shalt  }
0x4d: {  	_ =	shalt  }
0x4e: {  	_ =	shalt  }
0x4f: {  	_ =	shalt  }
0x50: {  	_ =	shalt  }
0x51: {  	_ =	shalt  }
0x52: {  	_ =	shalt  }
0x53: {  	_ =	shalt  }
0x54: {  	_ =	shalt  }
0x55: {  	_ =	shalt  }
0x56: {  	_ =	shalt  }
0x57: {  	_ =	shalt  }
0x58: {  	_ =	shalt  }
0x59: {  	_ =	shalt  }
0x5a: {  	_ =	shalt  }
0x5b: {  	_ =	shalt  }
0x5c: {  	_ =	shalt  }
0x5d: {  	_ =	shalt  }
0x5e: {  	_ =	shalt  }
0x5f: {  	_ =	shalt  }
0x60: {  	_ =	shalt  }
0x61: {  	_ =	shalt  }
0x62: {  	_ =	shalt  }
0x63: {  	_ =	shalt  }
0x64: {  	_ =	shalt  }
0x65: {  	_ =	shalt  }
0x66: {  	_ =	shalt  }
0x67: {  	_ =	shalt  }
0x68: {  	_ =	shalt  }
0x69: {  	_ =	shalt  }
0x6a: {  	_ =	shalt  }
0x6b: {  	_ =	shalt  }
0x6c: {  	_ =	shalt  }
0x6d: {  	_ =	shalt  }
0x6e: {  	_ =	shalt  }
0x6f: {  	_ =	shalt  }
0x70: {  	_ =	shalt  }
0x71: {  	_ =	shalt  }
0x72: {  	_ =	shalt  }
0x73: {  	_ =	shalt  }
0x74: {  	_ =	shalt  }
0x75: {  	_ =	shalt  }
0x76: {  	_ =	shalt  }
0x77: {  	_ =	shalt  }
0x78: {  	_ =	shalt  }
0x79: {  	_ =	shalt  }
0x7a: {  	_ =	shalt  }
0x7b: {  	_ =	shalt  }
0x7c: {  	_ =	shalt  }
0x7d: {  	_ =	shalt  }
0x7e: {  	_ =	shalt  }
0x7f: {  	_ =	shalt  }
0x80: {  	_ =	shalt  }
0x81: {  	_ =	shalt  }
0x82: {  	_ =	shalt  }
0x83: {  	_ =	shalt  }
0x84: {  	_ =	shalt  }
0x85: {  	_ =	shalt  }
0x86: {  	_ =	shalt  }
0x87: {  	_ =	shalt  }
.Lfunc_end0:
.L_simem_size_0:
called_computation_lowered:
.L_overlay_start_0:
0x88: {  	s2 =	sld [smem:$0x3FD9]  }
0x89: {  	s3 =	sld [smem:$0x3FFE];
	_ =	sdelay $0x1  }
0x8a: {  	s1 =	srdreg.scid  }
0x8b: {  	s0 =	sand.u32 $0x1, s1  }
0x8c: {  	s16 =	sshll.u32 s0, $0xA;
	s2 =	sadd.s32 s3, s2  }
0x8d: {  	s2 =	sadd.s32 s2, s16  }
0x8e: {  	[smem:$0x3FBF] =	sst s2  }
0x8f: {  	_ = 	snop  }
0x90: {  	(tm) =	ssettm $0x1  }
0x91: {  	s17 =	sld [smem:$0x3FFB];
	_ =	sdelay $0x3  }
0x92: {  	_ =	strace s17  }
0x93: {  	s2 =	sld [smem:$0x3FFC];
	_ =	sdelay $0x3  }
0x94: {  	_ =	strace s2  }
0x95: {  	s2 =	sld [smem:$0x3FFD];
	_ =	sdelay $0x3  }
0x96: {  	_ =	strace s2  }
0x97: {  	_ =	strace $0x8FFFFFFF  }
0x98: {  	s18 =	sld [smem:$0x3FDB];
	_ =	sdelay $0x1  }
0x99: {  	s19 =	simm.s32 $_scs_section_size  }
0x9a: {  	s4 =	simm.s32 $_size__tile_overlayer_lowered;
	s5 =	simm.s32 $_tile_overlayer_lowered  }
0x9b: {  	s22 =	simm.s32 $0x1BFF;
	s21 =	sshll.u32 s5, $0x1;
	s2 =	sadd.s32 s19, s18  }
0x9c: {  	s6 =	simm.s32 $0x0;
	s20 =	sshll.u32 s4, $0x1;
	s4 =	sadd.s32 s21, s2  }
0x9d: {  	[timem:s6], [sflag:s22] =	dma.local [hbm:s4], s20  }
0x9e: {  	_ =	swait.ge [sflag:s22], s20  }
0x9f: {  	s3 =	ssub.s32 $0x0, s20;
	[sflag:s22] =	ssyncset.done $0x0  }
0xa0: {  	[sflag:s22] =	ssyncadd.s32 s3;
	_ =	sdelay $0x1  }
0xa1: {  	s23 =	simm.s32 $0x1B8B  }
0xa2: {  	_ =	swait.ge [sflag:s23], $0x1  }
0xa3: {  	[sflag:s23] =	ssyncset.done $0x0  }
0xa4: {  	s25 =	simm.s32 $0x1B8E;
	s24 =	sld [smem:$0x3FFE];
	[sflag:s23] =	ssyncadd.s32 $0xFFFFFFFF  }
0xa5: {  	s26 =	simm.s32 $execute0_lowered;
	[smem:$0x3FD2] =	sst s25  }
0xa6: {  	s4 =	sshll.u32 s26, $0x1;
	_ =	strace $0x80000046;
	[dreg:$0x1] =	wrdreg $0xFFFFFFFF  }
0xa7: {  	s28 =	simm.s32 $_size_execute0_lowered;
	s2 =	sadd.s32 s2, s4;
	[dreg:$0x0] =	wrdreg $0x0  }
0xa8: {  	s4 =	sshll.u32 s28, $0x1;
	[dreg:$0x2] =	wrdreg s2  }
0xa9: {  	[dreg:$0x3] =	wrdreg s4  }
0xaa: {  	[dreg:$0x4] =	wrdreg $0xC0  }
0xab: {  	_ =	task [dreg:s6], $0x5FFFF  }
0xac: {  	[dreg:$0x1] =	wrdreg $0xFFFFFFFF  }
0xad: {  	[dreg:$0x0] =	wrdreg $0x60  }
0xae: {  	[dreg:$0x2] =	wrdreg s24  }
0xaf: {  	[dreg:$0x3] =	wrdreg $0x9  }
0xb0: {  	_ =	task.clear_ibuf [dreg:s6], $0x4FFFF;
	_ =	strace $0x90000046  }
0xb1: {  	s29 =	simm.s32 $0x9;
	_ =	strace $0x80000048  }
0xb2: {  	_ =	swait.ge [sflag:s29], $0x1  }
0xb3: {  	[sflag:s29] =	ssyncadd.s32 $0xFFFFFFFF  }
0xb4: {  	_ =	strace $0x90000048  }
0xb5: {  	_ =	sfence  }
0xb6: {  	s30 =	sld [smem:$0x0];
	_ =	sdelay $0x2  }
0xb7: {  	s31 =	sshll.u32 s1, $0xD;
	s1 =	sshrl.u32 s1, $0x2  }
0xb8: {  	s3 =	sand.u32 $0x4000, s31;
	s1 =	sadd.s32 s1, s30  }
0xb9: {  	s0 =	sor.u32 s3, s0;
	s1 =	sshll.u32 s1, $0x11  }
0xba: {  	s0 =	sor.u32 s1, s0  }
0xbb: {  	s0 =	sadd.s32 $0x8F2B, s0  }
0xbc: {  	[sflag:s0] =	ssyncadd.remote.s32 $0x1  }
0xbd: {  	_ =	sfence.sel $0xFFFF  }
0xbe: {  	[dreg:$0x0] =	wrdreg $0xFFFFFFFF;
	(pc) =	sbr.abs _section_cstart, $3  }
0xbf: {  	[dreg:$0x1] =	wrdreg $0xFFFFFFFF  }
0xc0: {  	_ =	task.clear_ibuf [dreg:s6], $0x2FFFF;
	_ =	strace $0x9FFFFFFF  }
0xc1: {  	(tm) =	ssettm $0x7FFFFFFF  }
tec
execute0_lowered:
.L_overlay_start_1:
0x0: {  	(tag) =	ssettag $0x1  }
0x1: {  	s4 =	rddreg [dreg:$0x0]  }
0x2: {  	s0 =	rddreg [dreg:$0x1];
	s2 =	simm.s32 $0x0  }
0x3: {  	s3 =	srdreg.scid;
	s1 =	stileid.u32;
	s12 =	simm.s32 $0x0  }
0x4: {  	[smem:$0x7FF] =	sst s2;
	s5 =	sand.u32 $0x1, s3;
	s29 =	sshll.u32 s1, $0x1  }
0x5: {  	s3 =	sadd.s32 $0x27AE400, s4;
	s9 =	smul.u32 $0xD0000, s1;
	s11 =	sadd.s32 $0x16000, s4  }
0x6: {  	s6 =	sor.u32 s5, s29;
	s8 =	ssub.s32 $0x2, s5;
	s5 =	smul.u32 $0x68000, s5  }
0x7: {  	s7 =	smul.u32 $0x68000, s6;
	s6 =	sshll.u32 s6, $0x9;
	s10 =	sshrl.u32 s8, $0x1  }
0x8: {  	_ =	strace $0x80000047;
	s6 =	sadd.s32 s6, s4;
	s8 =	ssub.s32 s8, s10  }
0x9: {  	s31 =	sadd.s32 s5, s9;
	s9 =	simm.s32 $0x1000;
	s10 =	simm.s32 $0x2  }
0xa: {  	s7 =	sshrl.u32 s7, $0x3;
	s4 =	sadd.s32 $0x12000, s6;
	s5 =	smax.u32 s8, $0x1  }
0xb: {  	s8 =	simm.s32 $0x3;
	s30 =	sadd.s32 s11, s7;
	s7 =	sshrl.u32 s31, $0x3  }
0xc: {  	s6 =	sadd.s32 $0xC800, s30;
	s7 =	sadd.s32 s7, s11;
	s11 =	simm.s32 $0x5000  }
.LBB2_1:
0xd: {  	[tilespmem:s2], [sflag:$0x3] =	stream.linear.gather [hbm4b:s4+s2], $0xD00, $0x38;
	[tilespmem:$0x9000] =	vst v63  }
0xe: {  	_ =	swait.ge [sflag:s8], $0xD00  }
0xf: {  	s14 =	sand.u32 $0x1, s2;
	[sflag:s8] =	ssyncset.done $0x0  }
0x10: {  	s13 =	simm.s32 $0x80;
	p0 =	seq.s32 s14, $0x1;
	[sflag:s8] =	ssyncadd.s32 $0xFFFFF300  }
0x11: {  	[tilespmem:s9], [sflag:$0x1] =	stream.indirect.gather [hbm4b:s3+s13], $0x80, s2, s13, $0xb8;
	[tilespmem:$0x9000] =	vst v63  }
0x12: {  	s14 =	simm.s32 @p0 $0x80;
	s15 =	simm.s32 @p0 $0x1000;
	s16 =	simm.s32 @p0 $0x2  }
0x13: {  	[tilespmem:s15], [sflag:$0x1] =	stream.indirect.gather @p0 [hbm4b:s3+s14], $0x80, s13, s14, $0xb8;
	[tilespmem:$0x9000] =	vst v63  }
0x14: {  	_ =	swait.ge @p0 [sflag:s16], $0x4000  }
0x15: {  	[sflag:s16] =	ssyncset.done @p0 $0x0  }
0x16: {  	s14 =	simm.s32 @p0 $0x0;
	s15 =	simm.s32 @p0 $0x5000;
	[sflag:s16] =	ssyncadd.s32 @p0 $0xFFFFC000  }
0x17: {  	[hbm4b:s7+s14] =	stream.linear.scatter @p0 [tilespmem:s15], [sflag:$0x3], $0x4000, $0x38;
	[tilespmem:$0x9000] =	vst v63  }
0x18: {  	s17 =	simm.s32 @!p0 $0x1;
	s14 =	simm.s32 @!p0 $0x80;
	s15 =	simm.s32 @!p0 $0x5000  }
0x19: {  	[tilespmem:s15], [sflag:$0x2] =	stream.indirect.gather @!p0 [hbm4b:s3+s14], $0x80, s13, s14, $0xb8;
	[tilespmem:$0x9000] =	vst v63  }
0x1a: {  	s16 =	simm.s32 @!p0 $0x4;
	_ =	swait.ge @!p0 [sflag:s17], $0x4000  }
0x1b: {  	s31 =	simm.s32 $0x1;
	s16 =	simm.s32 @p0 $0x3;
	[sflag:s17] =	ssyncset.done @!p0 $0x0  }
0x1c: {  	s14 =	simm.s32 @!p0 $0x1000;
	[sflag:s17] =	ssyncadd.s32 @!p0 $0xFFFFC000;
	s17 =	simm.s32 @!p0 $0x0  }
0x1d: {  	[hbm4b:s7+s17] =	stream.linear.scatter @!p0 [tilespmem:s14], [sflag:$0x4], $0x4000, $0x38;
	[tilespmem:$0x9000] =	vst v63  }
0x1e: {  	s15 =	simm.s32 $0x2;
	s13 =	sand.u32 $0x1, s31;
	s14 =	simm.s32 $0x100  }
0x1f: {  	p0 =	seq.s32 s13, $0x1;
	s13 =	sadd.s32 $0x800, s7;
	_ =	swait.ge [sflag:s16], $0x4000  }
.LBB2_2:
0x20: {  	s17 =	simm.s32 @p0 $0x80;
	s18 =	simm.s32 @p0 $0x1000  }
0x21: {  	[sflag:s16] =	ssyncset.done $0x0;
	s19 =	smov.u32 s15;
	s20 =	smov.u32 s14  }
0x22: {  	s15 =	sadd.s32 $0x1, s15;
	s21 =	simm.s32 @p0 $0x2;
	[sflag:s16] =	ssyncadd.s32 $0xFFFFC000  }
0x23: {  	[tilespmem:s18], [sflag:$0x1] =	stream.indirect.gather @p0 [hbm4b:s3+s17], $0x80, s14, s17, $0xb8;
	[tilespmem:$0x9000] =	vst v63  }
0x24: {  	p1 =	sne.s32 s15, $0x19;
	_ =	swait.ge @p0 [sflag:s21], $0x4000  }
0x25: {  	s14 =	sadd.s32 $0x80, s14;
	[sflag:s21] =	ssyncset.done @p0 $0x0  }
0x26: {  	s16 =	simm.s32 @p0 $0x0;
	s17 =	simm.s32 @p0 $0x5000;
	[sflag:s21] =	ssyncadd.s32 @p0 $0xFFFFC000  }
0x27: {  	[hbm4b:s13+s16] =	stream.linear.scatter @p0 [tilespmem:s17], [sflag:$0x3], $0x4000, $0x38;
	[tilespmem:$0x9000] =	vst v63  }
0x28: {  	s18 =	simm.s32 @!p0 $0x1;
	s16 =	simm.s32 @!p0 $0x80;
	s17 =	simm.s32 @!p0 $0x5000  }
0x29: {  	[tilespmem:s17], [sflag:$0x2] =	stream.indirect.gather @!p0 [hbm4b:s3+s16], $0x80, s20, s16, $0xb8;
	[tilespmem:$0x9000] =	vst v63  }
.Ltmp0:
0x2a: {  	s17 =	sand.u32 $0x1, s19;
	_ =	swait.ge @!p0 [sflag:s18], $0x4000;
	(pc) =	sbr.rel @p1 .LBB2_2-.Ltmp0, $4  }
0x2b: {  	s19 =	simm.s32 @!p0 $0x1000;
	s16 =	simm.s32 @!p0 $0x4;
	[sflag:s18] =	ssyncset.done @!p0 $0x0  }
0x2c: {  	s16 =	simm.s32 @p0 $0x3;
	[sflag:s18] =	ssyncadd.s32 @!p0 $0xFFFFC000;
	s18 =	simm.s32 @!p0 $0x0  }
0x2d: {  	[hbm4b:s13+s18] =	stream.linear.scatter @!p0 [tilespmem:s19], [sflag:$0x4], $0x4000, $0x38;
	[tilespmem:$0x9000] =	vst v63  }
0x2e: {  	p0 =	seq.s32 s17, $0x1;
	s13 =	sadd.s32 $0x800, s13;
	_ =	swait.ge [sflag:s16], $0x4000  }
0x2f: {  	s15 =	simm.s32 @p0 $0x80;
	[sflag:s16] =	ssyncset.done $0x0  }
0x30: {  	s17 =	simm.s32 @p0 $0x1000;
	s18 =	simm.s32 @p0 $0x2;
	[sflag:s16] =	ssyncadd.s32 $0xFFFFC000  }
0x31: {  	[tilespmem:s17], [sflag:$0x1] =	stream.indirect.gather @p0 [hbm4b:s3+s15], $0x80, s14, s15, $0xb8;
	[tilespmem:$0x9000] =	vst v63  }
0x32: {  	_ =	swait.ge @p0 [sflag:s18], $0x4000  }
0x33: {  	[sflag:s18] =	ssyncset.done @p0 $0x0  }
0x34: {  	s16 =	simm.s32 @p0 $0x5000;
	s15 =	simm.s32 @p0 $0x0;
	[sflag:s18] =	ssyncadd.s32 @p0 $0xFFFFC000  }
0x35: {  	[hbm4b:s13+s15] =	stream.linear.scatter @p0 [tilespmem:s16], [sflag:$0x3], $0x4000, $0x38;
	[tilespmem:$0x9000] =	vst v63  }
0x36: {  	s17 =	simm.s32 @!p0 $0x1;
	s15 =	simm.s32 @!p0 $0x80;
	s16 =	simm.s32 @!p0 $0x5000  }
0x37: {  	[tilespmem:s16], [sflag:$0x2] =	stream.indirect.gather @!p0 [hbm4b:s3+s15], $0x80, s14, s15, $0xb8;
	[tilespmem:$0x9000] =	vst v63  }
0x38: {  	_ =	swait.ge @!p0 [sflag:s17], $0x4000  }
0x39: {  	s14 =	simm.s32 @!p0 $0x1000;
	s15 =	simm.s32 @!p0 $0x4;
	[sflag:s17] =	ssyncset.done @!p0 $0x0  }
0x3a: {  	s16 =	simm.s32 @!p0 $0x0;
	s15 =	simm.s32 @p0 $0x3;
	[sflag:s17] =	ssyncadd.s32 @!p0 $0xFFFFC000  }
0x3b: {  	[hbm4b:s13+s16] =	stream.linear.scatter @!p0 [tilespmem:s14], [sflag:$0x4], $0x4000, $0x38;
	[tilespmem:$0x9000] =	vst v63  }
0x3c: {  	_ =	swait.ge [sflag:s15], $0x4000  }
0x3d: {  	[sflag:s15] =	ssyncset.done $0x0  }
0x3e: {  	[sflag:s15] =	ssyncadd.s32 $0xFFFFC000  }
0x3f: {  	s12 =	sadd.s32 $0x1, s12;
	_ =	swait.ge [sflag:s10], $0x4000  }
0x40: {  	p0 =	sne.s32 s12, s5;
	[sflag:s10] =	ssyncset.done $0x0  }
.Ltmp1:
0x41: {  	[sflag:s10] =	ssyncadd.s32 $0xFFFFC000;
	(pc) =	sbr.rel @p0 .LBB2_1-.Ltmp1, $4  }
0x42: {  	[hbm4b:s6+s2] =	stream.linear.scatter [tilespmem:s11], [sflag:$0x3], $0x4000, $0x38;
	[tilespmem:$0x9000] =	vst v63  }
0x43: {  	_ =	swait.ge [sflag:s8], $0x4000  }
0x44: {  	[sflag:s8] =	ssyncset.done $0x0  }
0x45: {  	[sflag:s8] =	ssyncadd.s32 $0xFFFFC000  }
0x46: {  	_ =	sfence.sel $0x180000  }
0x47: {  	[bflag:$0x0] =	sbarrier.arrive $0xFFFF  }
0x48: {  	p0 =	sne.s32 s1, $0x0;
	_ =	strace $0x90000047  }
0x49: {  	s0 =	sadd.s32 @!p0 $0x100000, s0;
	[bflag:$0x2] =	sbarrier.arrive $0xFFFF  }
0x4a: {  	[sflag:s0] =	ssyncadd.tile.s32 @!p0 $0x1;
	_ =	shalt  }
.Lfunc_end2:
_tile_overlayer_lowered:
.L_overlay_start_2:
0x4b: {  	(tag) =	ssettag $0x2  }
0x4c: {  	s0 =	rddreg [dreg:$0x0];
	s2 =	stileid.u32  }
0x4d: {  	s1 =	rddreg [dreg:$0x1];
	p0 =	sne.s32 s2, $0x0  }
0x4e: {  	s3 =	rddreg [dreg:$0x2];
	[bflag:$0x3] =	sbarrier.arrive $0xFFFF;
	s2 =	simm.s32 @!p0 $0x1C03  }
0x4f: {  	[timem:s3], [sflag:s2] =	dma.local @!p0 [hbm:s0], s1  }
0x50: {  	s0 =	simm.s32 @!p0 $0x3  }
0x51: {  	_ =	swait.ge @!p0 [sflag:s0], s1  }
0x52: {  	s1 =	ssub.s32 @!p0 $0x0, s1;
	[sflag:s0] =	ssyncset.done @!p0 $0x0  }
0x53: {  	[sflag:s0] =	ssyncadd.s32 @!p0 s1  }
0x54: {  	[bflag:$0x3] =	sbarrier.arrive $0xFFFF  }
0x55: {  	_ =	shalt  }

</sc_bundles>
